<compile_context>
chip_gen: v7x
topology: tpu7x:2x2x1
jax: 0.10.2.dev20260603
libtpu: 0.0.44.dev20260713+nightly
codegen_flags: <defaults>
</compile_context>

<pallas_src>
import functools

import jax
import jax.numpy as jnp
from jax import lax
from jax.experimental import pallas as pl
from jax.experimental.pallas import tpu as pltpu
from jax.experimental.pallas import tpu_sc as plsc

_NC = 2
_NS = 16
_NW = _NC * _NS
_CHUNK = 1000


def _prep_body(x_ref, f_ref, w1b_ref, b1_ref, xp_ref, lo_ref, hi_ref, b2_ref):
    pb = x_ref.shape[0]
    x = x_ref[...]
    fv = f_ref[...]
    xp = jnp.concatenate([x, jnp.zeros((pb, 13), jnp.float32)], axis=1)
    xp_ref[...] = xp
    lo_ref[...] = fv[:, 0:16]
    hi_ref[...] = fv[:, 16:32]
    bb = jnp.dot(xp, w1b_ref[...],
                 preferred_element_type=jnp.float32) + b1_ref[...]
    b2_ref[...] = jnp.broadcast_to(
        bb[:, None, :], (pb, 2, 32)).reshape(2 * pb, 32)


def _main_body(xg_ref, lo_ref, hi_ref, b2_ref, w1c_ref,
               w2lo_ref, w2hi_ref, b2lo_ref, b2hi_ref, o_ref):
    r2 = xg_ref.shape[0]
    nb = r2 // 2
    xb = jnp.concatenate([xg_ref[...], b2_ref[...]], axis=1)
    h8 = jax.nn.gelu(jnp.dot(xb, w1c_ref[...],
                             preferred_element_type=jnp.float32))
    mlo = jnp.dot(h8, w2lo_ref[...],
                  preferred_element_type=jnp.float32) + b2lo_ref[...]
    mhi = jnp.dot(h8, w2hi_ref[...],
                  preferred_element_type=jnp.float32) + b2hi_ref[...]
    wlo = mlo * lo_ref[...]
    whi = mhi * hi_ref[...]
    rlo = wlo[:, 0:64] + wlo[:, 64:128]
    rlo = rlo[:, 0:32] + rlo[:, 32:64]
    rlo = rlo[:, 0:16] + rlo[:, 16:32]
    rhi = whi[:, 0:64] + whi[:, 64:128]
    rhi = rhi[:, 0:32] + rhi[:, 32:64]
    rhi = rhi[:, 0:16] + rhi[:, 16:32]
    r = jnp.concatenate([rlo, rhi], axis=1)
    o_ref[...] = r.reshape(nb, 2, 32).sum(axis=1) * (1.0 / 16.0)


@functools.lru_cache(maxsize=None)
def _make_sc_gather(e_total):
    epw = e_total // _NW
    nit = epw // _CHUNK
    assert epw * _NW == e_total and nit * _CHUNK == epw
    assert nit % 2 == 0 and nit >= 4
    mesh = plsc.VectorSubcoreMesh(core_axis_name="c", subcore_axis_name="s")

    @functools.partial(
        pl.kernel, mesh=mesh,
        compiler_params=pltpu.CompilerParams(use_tc_tiling_on_sc=False),
        out_type=[jax.ShapeDtypeStruct((e_total, 16), jnp.float32),
                  jax.ShapeDtypeStruct((e_total, 16), jnp.float32),
                  jax.ShapeDtypeStruct((e_total, 16), jnp.float32)],
        scratch_types=[pltpu.VMEM((_CHUNK,), jnp.int32),
                       pltpu.VMEM((_CHUNK, 16), jnp.float32),
                       pltpu.VMEM((_CHUNK, 16), jnp.float32),
                       pltpu.VMEM((_CHUNK, 16), jnp.float32),
                       pltpu.VMEM((_CHUNK,), jnp.int32),
                       pltpu.VMEM((_CHUNK, 16), jnp.float32),
                       pltpu.VMEM((_CHUNK, 16), jnp.float32),
                       pltpu.VMEM((_CHUNK, 16), jnp.float32),
                       pltpu.SemaphoreType.DMA,
                       pltpu.SemaphoreType.DMA,
                       pltpu.SemaphoreType.DMA,
                       pltpu.SemaphoreType.DMA],
    )
    def gather_k(xtab, lotab, hitab, idx_hbm, xg_hbm, lo_hbm, hi_hbm,
                 i0, x0, l0, h0, i1, x1, l1, h1, sg0, sg1, sw0, sw1):
        wid = lax.axis_index("s") * _NC + lax.axis_index("c")
        base = wid * epw
        idxs, xs, ls, hs = (i0, i1), (x0, x1), (l0, l1), (h0, h1)
        sgs, sws = (sg0, sg1), (sw0, sw1)

        def fire_gather(b, chunk):
            off = base + chunk * _CHUNK
            pltpu.sync_copy(idx_hbm.at[pl.ds(off, _CHUNK)], idxs[b])
            pltpu.async_copy(xtab.at[idxs[b]], xs[b], sgs[b])
            pltpu.async_copy(lotab.at[idxs[b]], ls[b], sgs[b])
            pltpu.async_copy(hitab.at[idxs[b]], hs[b], sgs[b])

        def wait_gather(b):
            pltpu.make_async_copy(xtab.at[idxs[b]], xs[b], sgs[b]).wait()
            pltpu.make_async_copy(lotab.at[idxs[b]], ls[b], sgs[b]).wait()
            pltpu.make_async_copy(hitab.at[idxs[b]], hs[b], sgs[b]).wait()

        def writeback(b, chunk):
            off = base + chunk * _CHUNK
            ws = [pltpu.async_copy(xs[b], xg_hbm.at[pl.ds(off, _CHUNK)],
                                   sws[b]),
                  pltpu.async_copy(ls[b], lo_hbm.at[pl.ds(off, _CHUNK)],
                                   sws[b]),
                  pltpu.async_copy(hs[b], hi_hbm.at[pl.ds(off, _CHUNK)],
                                   sws[b])]
            for w in ws:
                w.wait()

        fire_gather(0, 0)
        fire_gather(1, 1)

        def body(it2, carry):
            for b in (0, 1):
                cur = 2 * it2 + b
                wait_gather(b)
                writeback(b, cur)
                fire_gather(b, cur + 2)
            return carry

        lax.fori_loop(0, (nit - 2) // 2, body, 0)

        for b in (0, 1):
            cur = nit - 2 + b
            wait_gather(b)
            writeback(b, cur)

    return gather_k


def kernel(x_in, in_features, W1, b1, W2, b2,
           neighbors_index, neighbors_row_splits):
    n, c = in_features.shape
    e = neighbors_index.shape[0]
    f32 = jnp.float32
    assert c == 32 and e == 16 * n and neighbors_row_splits.shape[0] == n + 1

    pb = 2000
    w1bp = jnp.zeros((16, 32), f32).at[0:3].set(W1[3:6])
    xpad, flo, fhi, b2d = pl.pallas_call(
        _prep_body,
        grid=(n // pb,),
        in_specs=[pl.BlockSpec((pb, 3), lambda i: (i, 0)),
                  pl.BlockSpec((pb, 32), lambda i: (i, 0)),
                  pl.BlockSpec((16, 32), lambda i: (0, 0)),
                  pl.BlockSpec((1, 32), lambda i: (0, 0))],
        out_specs=[pl.BlockSpec((pb, 16), lambda i: (i, 0)),
                   pl.BlockSpec((pb, 16), lambda i: (i, 0)),
                   pl.BlockSpec((pb, 16), lambda i: (i, 0)),
                   pl.BlockSpec((2 * pb, 32), lambda i: (i, 0))],
        out_shape=[jax.ShapeDtypeStruct((n, 16), f32),
                   jax.ShapeDtypeStruct((n, 16), f32),
                   jax.ShapeDtypeStruct((n, 16), f32),
                   jax.ShapeDtypeStruct((2 * n, 32), f32)],
    )(x_in, in_features, w1bp, b1.reshape(1, 32))

    xg, fglo, fghi = _make_sc_gather(e)(xpad, flo, fhi, neighbors_index)

    xg8 = xg.reshape(e // 8, 128)
    lo8 = fglo.reshape(e // 8, 128)
    hi8 = fghi.reshape(e // 8, 128)

    eye8 = jnp.eye(8, dtype=f32)
    w1blk = jnp.zeros((16, 32), f32).at[0:3].set(W1[0:3])
    w1cat = jnp.concatenate(
        [jnp.kron(eye8, w1blk),
         jnp.tile(jnp.eye(32, dtype=f32), (1, 8))], axis=0)
    w2lo = jnp.kron(eye8, W2[:, 0:16])
    w2hi = jnp.kron(eye8, W2[:, 16:32])
    b2lo = jnp.tile(b2[0:16], 8).reshape(1, 128)
    b2hi = jnp.tile(b2[16:32], 8).reshape(1, 128)

    nb = 1000
    out = pl.pallas_call(
        _main_body,
        grid=(n // nb,),
        in_specs=[pl.BlockSpec((2 * nb, 128), lambda i: (i, 0)),
                  pl.BlockSpec((2 * nb, 128), lambda i: (i, 0)),
                  pl.BlockSpec((2 * nb, 128), lambda i: (i, 0)),
                  pl.BlockSpec((2 * nb, 32), lambda i: (i, 0)),
                  pl.BlockSpec((160, 256), lambda i: (0, 0)),
                  pl.BlockSpec((256, 128), lambda i: (0, 0)),
                  pl.BlockSpec((256, 128), lambda i: (0, 0)),
                  pl.BlockSpec((1, 128), lambda i: (0, 0)),
                  pl.BlockSpec((1, 128), lambda i: (0, 0))],
        out_specs=pl.BlockSpec((nb, 32), lambda i: (i, 0)),
        out_shape=jax.ShapeDtypeStruct((n, 32), f32),
    )(xg8, lo8, hi8, b2d, w1cat, w2lo, w2hi, b2lo, b2hi)
    return out

# --- scband reference (transcript-rebuilt; emitter-appended) ---
"""Pipeline reference for scband-neighbor-mlpconv-layer-linear-15350213116606 (READ-ONLY COPY).

The authoritative reference and input builder live on the scoring server;
editing this copy changes nothing except your own understanding.
"""

import jax, jax.numpy as jnp
import numpy as np

N = 100000
DEG = 16
E = N * DEG
C = 32
HID = 32

def setup_inputs(seed: int = 0) -> dict:
    key = jax.random.key(seed)
    k1, k2, k3, k4, k5 = jax.random.split(key, 5)
    x_in = jax.random.normal(k1, (N, 3), dtype=jnp.float32)
    in_features = jax.random.normal(k2, (N, C), dtype=jnp.float32)
    neighbors_index = jax.random.randint(k3, (E,), 0, N, dtype=jnp.int32)
    # uniform-degree CSR row splits: 0, 16, 32, ..., E
    neighbors_row_splits = jnp.arange(N + 1, dtype=jnp.int32) * DEG
    # MLP([2*in_channels=6, hidden_dim=32, out_channels=32], GELU)
    W1 = jax.random.normal(k4, (6, HID), dtype=jnp.float32) * (1.0 / np.sqrt(6.0))
    b1 = jnp.zeros((HID,), dtype=jnp.float32)
    W2 = jax.random.normal(k5, (HID, C), dtype=jnp.float32) * (1.0 / np.sqrt(HID))
    b2 = jnp.zeros((C,), dtype=jnp.float32)
    return {"x_in": x_in, "in_features": in_features, "W1": W1, "b1": b1,
            "W2": W2, "b2": b2, "neighbors_index": neighbors_index,
            "neighbors_row_splits": neighbors_row_splits}

def reference(x_in, in_features, W1, b1, W2, b2, neighbors_index, neighbors_row_splits):
    idx = neighbors_index
    rs = neighbors_row_splits
    num_reps = rs[1:] - rs[:-1]
    e = idx.shape[0]
    m = num_reps.shape[0]
    # x_out is None -> x_out = x_in
    rep_features = jnp.take(x_in, idx, axis=0)            # [E, 3] gather
    gathered_feats = jnp.take(in_features, idx, axis=0)   # [E, C] gather
    self_features = jnp.repeat(x_in, num_reps, axis=0, total_repeat_length=e)  # [E, 3]
    agg_features = jnp.concatenate([rep_features, self_features], axis=1)      # [E, 6]
    h = jax.nn.gelu(agg_features @ W1 + b1)
    mlp_out = h @ W2 + b2                                  # [E, C]
    weighted = mlp_out * gathered_feats                    # [E, C]
    seg_ids = jnp.repeat(jnp.arange(m, dtype=jnp.int32), num_reps, total_repeat_length=e)
    summed = jax.ops.segment_sum(weighted, seg_ids, num_segments=m)  # scatter-add
    counts = jnp.maximum(num_reps, 1).astype(summed.dtype)[:, None]
    return summed / counts  # segment_csr reduce='mean' -> [M, C]

if __name__ == "__main__":
    import jax
    _d = setup_inputs()
    print(jax.jit(kernel)(*tuple(_d.values())))

</pallas_src>

<mosaic_0001>
#map = affine_map<(d0, d1) -> (0, 0)>
#map1 = affine_map<(d0, d1) -> (0)>
module attributes {stable_mosaic.version = 14 : i64} {
  func.func @gather_k(%arg0: i32, %arg1: i32, %arg2: memref<100000x16xf32, #tpu.memory_space<hbm>>, %arg3: memref<100000x16xf32, #tpu.memory_space<hbm>>, %arg4: memref<100000x16xf32, #tpu.memory_space<hbm>>, %arg5: memref<1600000xi32, #tpu.memory_space<hbm>>, %arg6: memref<1600000x16xf32, #tpu.memory_space<hbm>>, %arg7: memref<1600000x16xf32, #tpu.memory_space<hbm>>, %arg8: memref<1600000x16xf32, #tpu.memory_space<hbm>>, %arg9: memref<1000xi32, #tpu.memory_space<vmem>>, %arg10: memref<1000x16xf32, #tpu.memory_space<vmem>>, %arg11: memref<1000x16xf32, #tpu.memory_space<vmem>>, %arg12: memref<1000x16xf32, #tpu.memory_space<vmem>>, %arg13: memref<1000xi32, #tpu.memory_space<vmem>>, %arg14: memref<1000x16xf32, #tpu.memory_space<vmem>>, %arg15: memref<1000x16xf32, #tpu.memory_space<vmem>>, %arg16: memref<1000x16xf32, #tpu.memory_space<vmem>>, %arg17: memref<!tpu.dma_semaphore, #tpu.memory_space<semaphore_mem>>, %arg18: memref<!tpu.dma_semaphore, #tpu.memory_space<semaphore_mem>>, %arg19: memref<!tpu.dma_semaphore, #tpu.memory_space<semaphore_mem>>, %arg20: memref<!tpu.dma_semaphore, #tpu.memory_space<semaphore_mem>>) attributes {dimension_semantics = [#tpu.dimension_semantics<core_parallel>, #tpu.dimension_semantics<subcore_parallel>], iteration_bounds = array<i64: 2, 16>, scalar_prefetch = 0 : i64, scratch_operands = 12 : i64, tpu.core_type = #tpu.core_type<sc_vector_subcore>, window_params = [{transform_indices = #map}, {transform_indices = #map}, {transform_indices = #map}, {transform_indices = #map1}, {transform_indices = #map}, {transform_indices = #map}, {transform_indices = #map}]} {
    %mul3A = arith.constant 2 : i32
    %mul3A_0 = arith.muli %arg1, %mul3A : i32
    %add3A = arith.addi %mul3A_0, %arg0 : i32
    %mul3A_1 = arith.constant 50000 : i32
    %mul3A_2 = arith.muli %add3A, %mul3A_1 : i32
    %add3A_3 = arith.constant 0 : i32
    %add3A_4 = arith.addi %mul3A_2, %add3A_3 : i32
    "tpu.region"() ({
      %run_scoped3A = tpu.sem_alloc : memref<!tpu.dma_semaphore, #tpu.memory_space<semaphore_mem>>
      %dma_start3A_98 = tpu.memref_slice %arg5[%add3A_4] : memref<1600000xi32, #tpu.memory_space<hbm>> -> memref<1000xi32, #tpu.memory_space<hbm>>
      %dma_start3A_99 = tpu.memref_slice %arg5[%add3A_4] : memref<1600000xi32, #tpu.memory_space<hbm>> -> memref<1000xi32, #tpu.memory_space<hbm>>
      tpu.enqueue_dma source(%dma_start3A_99 : memref<1000xi32, #tpu.memory_space<hbm>>) target(%arg9 : memref<1000xi32, #tpu.memory_space<vmem>>) target_semaphore(%run_scoped3A : memref<!tpu.dma_semaphore, #tpu.memory_space<semaphore_mem>>)
      %dma_wait3A_100 = tpu.memref_slice %arg5[%add3A_4] : memref<1600000xi32, #tpu.memory_space<hbm>> -> memref<1000xi32, #tpu.memory_space<hbm>>
      %dma_wait3A_101 = tpu.memref_slice %arg5[%add3A_4] : memref<1600000xi32, #tpu.memory_space<hbm>> -> memref<1000xi32, #tpu.memory_space<hbm>>
      tpu.wait_dma2 semaphore(%run_scoped3A : memref<!tpu.dma_semaphore, #tpu.memory_space<semaphore_mem>>) src(%dma_wait3A_101 : memref<1000xi32, #tpu.memory_space<hbm>>) dst(%arg9 : memref<1000xi32, #tpu.memory_space<vmem>>)
      tpu.yield
    }) : () -> ()
    %dma_start3A = arith.constant 0 : i32
    %dma_start3A_5 = arith.constant 0 : i32
    %dma_start3A_6 = tpu.memref_slice %arg2[%dma_start3A, %dma_start3A_5] : memref<100000x16xf32, #tpu.memory_space<hbm>> -> memref<100000x16xf32, #tpu.memory_space<hbm>>
    tpu.enqueue_indirect_dma source(%dma_start3A_6 : memref<100000x16xf32, #tpu.memory_space<hbm>>) target(%arg10 : memref<1000x16xf32, #tpu.memory_space<vmem>>) offsets(%arg9 : memref<1000xi32, #tpu.memory_space<vmem>>) semaphore(%arg17 : memref<!tpu.dma_semaphore, #tpu.memory_space<semaphore_mem>>)
    %dma_start3A_7 = arith.constant 0 : i32
    %dma_start3A_8 = arith.constant 0 : i32
    %dma_start3A_9 = tpu.memref_slice %arg3[%dma_start3A_7, %dma_start3A_8] : memref<100000x16xf32, #tpu.memory_space<hbm>> -> memref<100000x16xf32, #tpu.memory_space<hbm>>
    tpu.enqueue_indirect_dma source(%dma_start3A_9 : memref<100000x16xf32, #tpu.memory_space<hbm>>) target(%arg11 : memref<1000x16xf32, #tpu.memory_space<vmem>>) offsets(%arg9 : memref<1000xi32, #tpu.memory_space<vmem>>) semaphore(%arg17 : memref<!tpu.dma_semaphore, #tpu.memory_space<semaphore_mem>>)
    %dma_start3A_10 = arith.constant 0 : i32
    %dma_start3A_11 = arith.constant 0 : i32
    %dma_start3A_12 = tpu.memref_slice %arg4[%dma_start3A_10, %dma_start3A_11] : memref<100000x16xf32, #tpu.memory_space<hbm>> -> memref<100000x16xf32, #tpu.memory_space<hbm>>
    tpu.enqueue_indirect_dma source(%dma_start3A_12 : memref<100000x16xf32, #tpu.memory_space<hbm>>) target(%arg12 : memref<1000x16xf32, #tpu.memory_space<vmem>>) offsets(%arg9 : memref<1000xi32, #tpu.memory_space<vmem>>) semaphore(%arg17 : memref<!tpu.dma_semaphore, #tpu.memory_space<semaphore_mem>>)
    %add3A_13 = arith.constant 1000 : i32
    %add3A_14 = arith.addi %mul3A_2, %add3A_13 : i32
    "tpu.region"() ({
      %run_scoped3A = tpu.sem_alloc : memref<!tpu.dma_semaphore, #tpu.memory_space<semaphore_mem>>
      %dma_start3A_98 = tpu.memref_slice %arg5[%add3A_14] : memref<1600000xi32, #tpu.memory_space<hbm>> -> memref<1000xi32, #tpu.memory_space<hbm>>
      %dma_start3A_99 = tpu.memref_slice %arg5[%add3A_14] : memref<1600000xi32, #tpu.memory_space<hbm>> -> memref<1000xi32, #tpu.memory_space<hbm>>
      tpu.enqueue_dma source(%dma_start3A_99 : memref<1000xi32, #tpu.memory_space<hbm>>) target(%arg13 : memref<1000xi32, #tpu.memory_space<vmem>>) target_semaphore(%run_scoped3A : memref<!tpu.dma_semaphore, #tpu.memory_space<semaphore_mem>>)
      %dma_wait3A_100 = tpu.memref_slice %arg5[%add3A_14] : memref<1600000xi32, #tpu.memory_space<hbm>> -> memref<1000xi32, #tpu.memory_space<hbm>>
      %dma_wait3A_101 = tpu.memref_slice %arg5[%add3A_14] : memref<1600000xi32, #tpu.memory_space<hbm>> -> memref<1000xi32, #tpu.memory_space<hbm>>
      tpu.wait_dma2 semaphore(%run_scoped3A : memref<!tpu.dma_semaphore, #tpu.memory_space<semaphore_mem>>) src(%dma_wait3A_101 : memref<1000xi32, #tpu.memory_space<hbm>>) dst(%arg13 : memref<1000xi32, #tpu.memory_space<vmem>>)
      tpu.yield
    }) : () -> ()
    %dma_start3A_15 = arith.constant 0 : i32
    %dma_start3A_16 = arith.constant 0 : i32
    %dma_start3A_17 = tpu.memref_slice %arg2[%dma_start3A_15, %dma_start3A_16] : memref<100000x16xf32, #tpu.memory_space<hbm>> -> memref<100000x16xf32, #tpu.memory_space<hbm>>
    tpu.enqueue_indirect_dma source(%dma_start3A_17 : memref<100000x16xf32, #tpu.memory_space<hbm>>) target(%arg14 : memref<1000x16xf32, #tpu.memory_space<vmem>>) offsets(%arg13 : memref<1000xi32, #tpu.memory_space<vmem>>) semaphore(%arg18 : memref<!tpu.dma_semaphore, #tpu.memory_space<semaphore_mem>>)
    %dma_start3A_18 = arith.constant 0 : i32
    %dma_start3A_19 = arith.constant 0 : i32
    %dma_start3A_20 = tpu.memref_slice %arg3[%dma_start3A_18, %dma_start3A_19] : memref<100000x16xf32, #tpu.memory_space<hbm>> -> memref<100000x16xf32, #tpu.memory_space<hbm>>
    tpu.enqueue_indirect_dma source(%dma_start3A_20 : memref<100000x16xf32, #tpu.memory_space<hbm>>) target(%arg15 : memref<1000x16xf32, #tpu.memory_space<vmem>>) offsets(%arg13 : memref<1000xi32, #tpu.memory_space<vmem>>) semaphore(%arg18 : memref<!tpu.dma_semaphore, #tpu.memory_space<semaphore_mem>>)
    %dma_start3A_21 = arith.constant 0 : i32
    %dma_start3A_22 = arith.constant 0 : i32
    %dma_start3A_23 = tpu.memref_slice %arg4[%dma_start3A_21, %dma_start3A_22] : memref<100000x16xf32, #tpu.memory_space<hbm>> -> memref<100000x16xf32, #tpu.memory_space<hbm>>
    tpu.enqueue_indirect_dma source(%dma_start3A_23 : memref<100000x16xf32, #tpu.memory_space<hbm>>) target(%arg16 : memref<1000x16xf32, #tpu.memory_space<vmem>>) offsets(%arg13 : memref<1000xi32, #tpu.memory_space<vmem>>) semaphore(%arg18 : memref<!tpu.dma_semaphore, #tpu.memory_space<semaphore_mem>>)
    %scan3A = arith.constant 0 : i32
    %scan3A_24 = arith.constant 0 : i32
    %scan3A_25 = arith.constant 24 : i32
    %scan3A_26 = arith.addi %scan3A_24, %scan3A_25 : i32
    %scan3A_27 = arith.constant 1 : i32
    scf.for %scan3A_98 = %scan3A_24 to %scan3A_26 step %scan3A_27  : i32 {
      %mul3A_99 = arith.constant 2 : i32
      %mul3A_100 = arith.muli %mul3A_99, %scan3A_98 : i32
      %add3A_101 = arith.constant 0 : i32
      %add3A_102 = arith.addi %mul3A_100, %add3A_101 : i32
      %dma_wait3A_103 = arith.constant 0 : i32
      %dma_wait3A_104 = arith.constant 0 : i32
      %dma_wait3A_105 = tpu.memref_slice %arg2[%dma_wait3A_103, %dma_wait3A_104] : memref<100000x16xf32, #tpu.memory_space<hbm>> -> memref<100000x16xf32, #tpu.memory_space<hbm>>
      tpu.wait_indirect_dma semaphore(%arg17 : memref<!tpu.dma_semaphore, #tpu.memory_space<semaphore_mem>>) src(%dma_wait3A_105 : memref<100000x16xf32, #tpu.memory_space<hbm>>) dst(%arg10 : memref<1000x16xf32, #tpu.memory_space<vmem>>)
      %dma_wait3A_106 = arith.constant 0 : i32
      %dma_wait3A_107 = arith.constant 0 : i32
      %dma_wait3A_108 = tpu.memref_slice %arg3[%dma_wait3A_106, %dma_wait3A_107] : memref<100000x16xf32, #tpu.memory_space<hbm>> -> memref<100000x16xf32, #tpu.memory_space<hbm>>
      tpu.wait_indirect_dma semaphore(%arg17 : memref<!tpu.dma_semaphore, #tpu.memory_space<semaphore_mem>>) src(%dma_wait3A_108 : memref<100000x16xf32, #tpu.memory_space<hbm>>) dst(%arg11 : memref<1000x16xf32, #tpu.memory_space<vmem>>)
      %dma_wait3A_109 = arith.constant 0 : i32
      %dma_wait3A_110 = arith.constant 0 : i32
      %dma_wait3A_111 = tpu.memref_slice %arg4[%dma_wait3A_109, %dma_wait3A_110] : memref<100000x16xf32, #tpu.memory_space<hbm>> -> memref<100000x16xf32, #tpu.memory_space<hbm>>
      tpu.wait_indirect_dma semaphore(%arg17 : memref<!tpu.dma_semaphore, #tpu.memory_space<semaphore_mem>>) src(%dma_wait3A_111 : memref<100000x16xf32, #tpu.memory_space<hbm>>) dst(%arg12 : memref<1000x16xf32, #tpu.memory_space<vmem>>)
      %mul3A_112 = arith.constant 1000 : i32
      %mul3A_113 = arith.muli %add3A_102, %mul3A_112 : i32
      %add3A_114 = arith.addi %mul3A_2, %mul3A_113 : i32
      %dma_start3A_115 = arith.constant 0 : i32
      %dma_start3A_116 = tpu.memref_slice %arg6[%add3A_114, %dma_start3A_115] : memref<1600000x16xf32, #tpu.memory_space<hbm>> -> memref<1000x16xf32, #tpu.memory_space<hbm>>
      %dma_start3A_117 = arith.constant 0 : i32
      %dma_start3A_118 = tpu.memref_slice %arg6[%add3A_114, %dma_start3A_117] : memref<1600000x16xf32, #tpu.memory_space<hbm>> -> memref<1000x16xf32, #tpu.memory_space<hbm>>
      tpu.enqueue_dma source(%arg10 : memref<1000x16xf32, #tpu.memory_space<vmem>>) target(%dma_start3A_118 : memref<1000x16xf32, #tpu.memory_space<hbm>>) target_semaphore(%arg19 : memref<!tpu.dma_semaphore, #tpu.memory_space<semaphore_mem>>)
      %dma_start3A_119 = arith.constant 0 : i32
      %dma_start3A_120 = tpu.memref_slice %arg7[%add3A_114, %dma_start3A_119] : memref<1600000x16xf32, #tpu.memory_space<hbm>> -> memref<1000x16xf32, #tpu.memory_space<hbm>>
      %dma_start3A_121 = arith.constant 0 : i32
      %dma_start3A_122 = tpu.memref_slice %arg7[%add3A_114, %dma_start3A_121] : memref<1600000x16xf32, #tpu.memory_space<hbm>> -> memref<1000x16xf32, #tpu.memory_space<hbm>>
      tpu.enqueue_dma source(%arg11 : memref<1000x16xf32, #tpu.memory_space<vmem>>) target(%dma_start3A_122 : memref<1000x16xf32, #tpu.memory_space<hbm>>) target_semaphore(%arg19 : memref<!tpu.dma_semaphore, #tpu.memory_space<semaphore_mem>>)
      %dma_start3A_123 = arith.constant 0 : i32
      %dma_start3A_124 = tpu.memref_slice %arg8[%add3A_114, %dma_start3A_123] : memref<1600000x16xf32, #tpu.memory_space<hbm>> -> memref<1000x16xf32, #tpu.memory_space<hbm>>
      %dma_start3A_125 = arith.constant 0 : i32
      %dma_start3A_126 = tpu.memref_slice %arg8[%add3A_114, %dma_start3A_125] : memref<1600000x16xf32, #tpu.memory_space<hbm>> -> memref<1000x16xf32, #tpu.memory_space<hbm>>
      tpu.enqueue_dma source(%arg12 : memref<1000x16xf32, #tpu.memory_space<vmem>>) target(%dma_start3A_126 : memref<1000x16xf32, #tpu.memory_space<hbm>>) target_semaphore(%arg19 : memref<!tpu.dma_semaphore, #tpu.memory_space<semaphore_mem>>)
      %dma_wait3A_127 = arith.constant 0 : i32
      %dma_wait3A_128 = tpu.memref_slice %arg6[%add3A_114, %dma_wait3A_127] : memref<1600000x16xf32, #tpu.memory_space<hbm>> -> memref<1000x16xf32, #tpu.memory_space<hbm>>
      %dma_wait3A_129 = arith.constant 0 : i32
      %dma_wait3A_130 = tpu.memref_slice %arg6[%add3A_114, %dma_wait3A_129] : memref<1600000x16xf32, #tpu.memory_space<hbm>> -> memref<1000x16xf32, #tpu.memory_space<hbm>>
      tpu.wait_dma2 semaphore(%arg19 : memref<!tpu.dma_semaphore, #tpu.memory_space<semaphore_mem>>) src(%arg10 : memref<1000x16xf32, #tpu.memory_space<vmem>>) dst(%dma_wait3A_130 : memref<1000x16xf32, #tpu.memory_space<hbm>>)
      %dma_wait3A_131 = arith.constant 0 : i32
      %dma_wait3A_132 = tpu.memref_slice %arg7[%add3A_114, %dma_wait3A_131] : memref<1600000x16xf32, #tpu.memory_space<hbm>> -> memref<1000x16xf32, #tpu.memory_space<hbm>>
      %dma_wait3A_133 = arith.constant 0 : i32
      %dma_wait3A_134 = tpu.memref_slice %arg7[%add3A_114, %dma_wait3A_133] : memref<1600000x16xf32, #tpu.memory_space<hbm>> -> memref<1000x16xf32, #tpu.memory_space<hbm>>
      tpu.wait_dma2 semaphore(%arg19 : memref<!tpu.dma_semaphore, #tpu.memory_space<semaphore_mem>>) src(%arg11 : memref<1000x16xf32, #tpu.memory_space<vmem>>) dst(%dma_wait3A_134 : memref<1000x16xf32, #tpu.memory_space<hbm>>)
      %dma_wait3A_135 = arith.constant 0 : i32
      %dma_wait3A_136 = tpu.memref_slice %arg8[%add3A_114, %dma_wait3A_135] : memref<1600000x16xf32, #tpu.memory_space<hbm>> -> memref<1000x16xf32, #tpu.memory_space<hbm>>
      %dma_wait3A_137 = arith.constant 0 : i32
      %dma_wait3A_138 = tpu.memref_slice %arg8[%add3A_114, %dma_wait3A_137] : memref<1600000x16xf32, #tpu.memory_space<hbm>> -> memref<1000x16xf32, #tpu.memory_space<hbm>>
      tpu.wait_dma2 semaphore(%arg19 : memref<!tpu.dma_semaphore, #tpu.memory_space<semaphore_mem>>) src(%arg12 : memref<1000x16xf32, #tpu.memory_space<vmem>>) dst(%dma_wait3A_138 : memref<1000x16xf32, #tpu.memory_space<hbm>>)
      %add3A_139 = arith.constant 2 : i32
      %add3A_140 = arith.addi %add3A_102, %add3A_139 : i32
      %mul3A_141 = arith.constant 1000 : i32
      %mul3A_142 = arith.muli %add3A_140, %mul3A_141 : i32
      %add3A_143 = arith.addi %mul3A_2, %mul3A_142 : i32
      "tpu.region"() ({
        %run_scoped3A = tpu.sem_alloc : memref<!tpu.dma_semaphore, #tpu.memory_space<semaphore_mem>>
        %dma_start3A_207 = tpu.memref_slice %arg5[%add3A_143] : memref<1600000xi32, #tpu.memory_space<hbm>> -> memref<1000xi32, #tpu.memory_space<hbm>>
        %dma_start3A_208 = tpu.memref_slice %arg5[%add3A_143] : memref<1600000xi32, #tpu.memory_space<hbm>> -> memref<1000xi32, #tpu.memory_space<hbm>>
        tpu.enqueue_dma source(%dma_start3A_208 : memref<1000xi32, #tpu.memory_space<hbm>>) target(%arg9 : memref<1000xi32, #tpu.memory_space<vmem>>) target_semaphore(%run_scoped3A : memref<!tpu.dma_semaphore, #tpu.memory_space<semaphore_mem>>)
        %dma_wait3A_209 = tpu.memref_slice %arg5[%add3A_143] : memref<1600000xi32, #tpu.memory_space<hbm>> -> memref<1000xi32, #tpu.memory_space<hbm>>
        %dma_wait3A_210 = tpu.memref_slice %arg5[%add3A_143] : memref<1600000xi32, #tpu.memory_space<hbm>> -> memref<1000xi32, #tpu.memory_space<hbm>>
        tpu.wait_dma2 semaphore(%run_scoped3A : memref<!tpu.dma_semaphore, #tpu.memory_space<semaphore_mem>>) src(%dma_wait3A_210 : memref<1000xi32, #tpu.memory_space<hbm>>) dst(%arg9 : memref<1000xi32, #tpu.memory_space<vmem>>)
        tpu.yield
      }) : () -> ()
      %dma_start3A_144 = arith.constant 0 : i32
      %dma_start3A_145 = arith.constant 0 : i32
      %dma_start3A_146 = tpu.memref_slice %arg2[%dma_start3A_144, %dma_start3A_145] : memref<100000x16xf32, #tpu.memory_space<hbm>> -> memref<100000x16xf32, #tpu.memory_space<hbm>>
      tpu.enqueue_indirect_dma source(%dma_start3A_146 : memref<100000x16xf32, #tpu.memory_space<hbm>>) target(%arg10 : memref<1000x16xf32, #tpu.memory_space<vmem>>) offsets(%arg9 : memref<1000xi32, #tpu.memory_space<vmem>>) semaphore(%arg17 : memref<!tpu.dma_semaphore, #tpu.memory_space<semaphore_mem>>)
      %dma_start3A_147 = arith.constant 0 : i32
      %dma_start3A_148 = arith.constant 0 : i32
      %dma_start3A_149 = tpu.memref_slice %arg3[%dma_start3A_147, %dma_start3A_148] : memref<100000x16xf32, #tpu.memory_space<hbm>> -> memref<100000x16xf32, #tpu.memory_space<hbm>>
      tpu.enqueue_indirect_dma source(%dma_start3A_149 : memref<100000x16xf32, #tpu.memory_space<hbm>>) target(%arg11 : memref<1000x16xf32, #tpu.memory_space<vmem>>) offsets(%arg9 : memref<1000xi32, #tpu.memory_space<vmem>>) semaphore(%arg17 : memref<!tpu.dma_semaphore, #tpu.memory_space<semaphore_mem>>)
      %dma_start3A_150 = arith.constant 0 : i32
      %dma_start3A_151 = arith.constant 0 : i32
      %dma_start3A_152 = tpu.memref_slice %arg4[%dma_start3A_150, %dma_start3A_151] : memref<100000x16xf32, #tpu.memory_space<hbm>> -> memref<100000x16xf32, #tpu.memory_space<hbm>>
      tpu.enqueue_indirect_dma source(%dma_start3A_152 : memref<100000x16xf32, #tpu.memory_space<hbm>>) target(%arg12 : memref<1000x16xf32, #tpu.memory_space<vmem>>) offsets(%arg9 : memref<1000xi32, #tpu.memory_space<vmem>>) semaphore(%arg17 : memref<!tpu.dma_semaphore, #tpu.memory_space<semaphore_mem>>)
      %mul3A_153 = arith.constant 2 : i32
      %mul3A_154 = arith.muli %mul3A_153, %scan3A_98 : i32
      %add3A_155 = arith.constant 1 : i32
      %add3A_156 = arith.addi %mul3A_154, %add3A_155 : i32
      %dma_wait3A_157 = arith.constant 0 : i32
      %dma_wait3A_158 = arith.constant 0 : i32
      %dma_wait3A_159 = tpu.memref_slice %arg2[%dma_wait3A_157, %dma_wait3A_158] : memref<100000x16xf32, #tpu.memory_space<hbm>> -> memref<100000x16xf32, #tpu.memory_space<hbm>>
      tpu.wait_indirect_dma semaphore(%arg18 : memref<!tpu.dma_semaphore, #tpu.memory_space<semaphore_mem>>) src(%dma_wait3A_159 : memref<100000x16xf32, #tpu.memory_space<hbm>>) dst(%arg14 : memref<1000x16xf32, #tpu.memory_space<vmem>>)
      %dma_wait3A_160 = arith.constant 0 : i32
      %dma_wait3A_161 = arith.constant 0 : i32
      %dma_wait3A_162 = tpu.memref_slice %arg3[%dma_wait3A_160, %dma_wait3A_161] : memref<100000x16xf32, #tpu.memory_space<hbm>> -> memref<100000x16xf32, #tpu.memory_space<hbm>>
      tpu.wait_indirect_dma semaphore(%arg18 : memref<!tpu.dma_semaphore, #tpu.memory_space<semaphore_mem>>) src(%dma_wait3A_162 : memref<100000x16xf32, #tpu.memory_space<hbm>>) dst(%arg15 : memref<1000x16xf32, #tpu.memory_space<vmem>>)
      %dma_wait3A_163 = arith.constant 0 : i32
      %dma_wait3A_164 = arith.constant 0 : i32
      %dma_wait3A_165 = tpu.memref_slice %arg4[%dma_wait3A_163, %dma_wait3A_164] : memref<100000x16xf32, #tpu.memory_space<hbm>> -> memref<100000x16xf32, #tpu.memory_space<hbm>>
      tpu.wait_indirect_dma semaphore(%arg18 : memref<!tpu.dma_semaphore, #tpu.memory_space<semaphore_mem>>) src(%dma_wait3A_165 : memref<100000x16xf32, #tpu.memory_space<hbm>>) dst(%arg16 : memref<1000x16xf32, #tpu.memory_space<vmem>>)
      %mul3A_166 = arith.constant 1000 : i32
      %mul3A_167 = arith.muli %add3A_156, %mul3A_166 : i32
      %add3A_168 = arith.addi %mul3A_2, %mul3A_167 : i32
      %dma_start3A_169 = arith.constant 0 : i32
      %dma_start3A_170 = tpu.memref_slice %arg6[%add3A_168, %dma_start3A_169] : memref<1600000x16xf32, #tpu.memory_space<hbm>> -> memref<1000x16xf32, #tpu.memory_space<hbm>>
      %dma_start3A_171 = arith.constant 0 : i32
      %dma_start3A_172 = tpu.memref_slice %arg6[%add3A_168, %dma_start3A_171] : memref<1600000x16xf32, #tpu.memory_space<hbm>> -> memref<1000x16xf32, #tpu.memory_space<hbm>>
      tpu.enqueue_dma source(%arg14 : memref<1000x16xf32, #tpu.memory_space<vmem>>) target(%dma_start3A_172 : memref<1000x16xf32, #tpu.memory_space<hbm>>) target_semaphore(%arg20 : memref<!tpu.dma_semaphore, #tpu.memory_space<semaphore_mem>>)
      %dma_start3A_173 = arith.constant 0 : i32
      %dma_start3A_174 = tpu.memref_slice %arg7[%add3A_168, %dma_start3A_173] : memref<1600000x16xf32, #tpu.memory_space<hbm>> -> memref<1000x16xf32, #tpu.memory_space<hbm>>
      %dma_start3A_175 = arith.constant 0 : i32
      %dma_start3A_176 = tpu.memref_slice %arg7[%add3A_168, %dma_start3A_175] : memref<1600000x16xf32, #tpu.memory_space<hbm>> -> memref<1000x16xf32, #tpu.memory_space<hbm>>
      tpu.enqueue_dma source(%arg15 : memref<1000x16xf32, #tpu.memory_space<vmem>>) target(%dma_start3A_176 : memref<1000x16xf32, #tpu.memory_space<hbm>>) target_semaphore(%arg20 : memref<!tpu.dma_semaphore, #tpu.memory_space<semaphore_mem>>)
      %dma_start3A_177 = arith.constant 0 : i32
      %dma_start3A_178 = tpu.memref_slice %arg8[%add3A_168, %dma_start3A_177] : memref<1600000x16xf32, #tpu.memory_space<hbm>> -> memref<1000x16xf32, #tpu.memory_space<hbm>>
      %dma_start3A_179 = arith.constant 0 : i32
      %dma_start3A_180 = tpu.memref_slice %arg8[%add3A_168, %dma_start3A_179] : memref<1600000x16xf32, #tpu.memory_space<hbm>> -> memref<1000x16xf32, #tpu.memory_space<hbm>>
      tpu.enqueue_dma source(%arg16 : memref<1000x16xf32, #tpu.memory_space<vmem>>) target(%dma_start3A_180 : memref<1000x16xf32, #tpu.memory_space<hbm>>) target_semaphore(%arg20 : memref<!tpu.dma_semaphore, #tpu.memory_space<semaphore_mem>>)
      %dma_wait3A_181 = arith.constant 0 : i32
      %dma_wait3A_182 = tpu.memref_slice %arg6[%add3A_168, %dma_wait3A_181] : memref<1600000x16xf32, #tpu.memory_space<hbm>> -> memref<1000x16xf32, #tpu.memory_space<hbm>>
      %dma_wait3A_183 = arith.constant 0 : i32
      %dma_wait3A_184 = tpu.memref_slice %arg6[%add3A_168, %dma_wait3A_183] : memref<1600000x16xf32, #tpu.memory_space<hbm>> -> memref<1000x16xf32, #tpu.memory_space<hbm>>
      tpu.wait_dma2 semaphore(%arg20 : memref<!tpu.dma_semaphore, #tpu.memory_space<semaphore_mem>>) src(%arg14 : memref<1000x16xf32, #tpu.memory_space<vmem>>) dst(%dma_wait3A_184 : memref<1000x16xf32, #tpu.memory_space<hbm>>)
      %dma_wait3A_185 = arith.constant 0 : i32
      %dma_wait3A_186 = tpu.memref_slice %arg7[%add3A_168, %dma_wait3A_185] : memref<1600000x16xf32, #tpu.memory_space<hbm>> -> memref<1000x16xf32, #tpu.memory_space<hbm>>
      %dma_wait3A_187 = arith.constant 0 : i32
      %dma_wait3A_188 = tpu.memref_slice %arg7[%add3A_168, %dma_wait3A_187] : memref<1600000x16xf32, #tpu.memory_space<hbm>> -> memref<1000x16xf32, #tpu.memory_space<hbm>>
      tpu.wait_dma2 semaphore(%arg20 : memref<!tpu.dma_semaphore, #tpu.memory_space<semaphore_mem>>) src(%arg15 : memref<1000x16xf32, #tpu.memory_space<vmem>>) dst(%dma_wait3A_188 : memref<1000x16xf32, #tpu.memory_space<hbm>>)
      %dma_wait3A_189 = arith.constant 0 : i32
      %dma_wait3A_190 = tpu.memref_slice %arg8[%add3A_168, %dma_wait3A_189] : memref<1600000x16xf32, #tpu.memory_space<hbm>> -> memref<1000x16xf32, #tpu.memory_space<hbm>>
      %dma_wait3A_191 = arith.constant 0 : i32
      %dma_wait3A_192 = tpu.memref_slice %arg8[%add3A_168, %dma_wait3A_191] : memref<1600000x16xf32, #tpu.memory_space<hbm>> -> memref<1000x16xf32, #tpu.memory_space<hbm>>
      tpu.wait_dma2 semaphore(%arg20 : memref<!tpu.dma_semaphore, #tpu.memory_space<semaphore_mem>>) src(%arg16 : memref<1000x16xf32, #tpu.memory_space<vmem>>) dst(%dma_wait3A_192 : memref<1000x16xf32, #tpu.memory_space<hbm>>)
      %add3A_193 = arith.constant 2 : i32
      %add3A_194 = arith.addi %add3A_156, %add3A_193 : i32
      %mul3A_195 = arith.constant 1000 : i32
      %mul3A_196 = arith.muli %add3A_194, %mul3A_195 : i32
      %add3A_197 = arith.addi %mul3A_2, %mul3A_196 : i32
      "tpu.region"() ({
        %run_scoped3A = tpu.sem_alloc : memref<!tpu.dma_semaphore, #tpu.memory_space<semaphore_mem>>
        %dma_start3A_207 = tpu.memref_slice %arg5[%add3A_197] : memref<1600000xi32, #tpu.memory_space<hbm>> -> memref<1000xi32, #tpu.memory_space<hbm>>
        %dma_start3A_208 = tpu.memref_slice %arg5[%add3A_197] : memref<1600000xi32, #tpu.memory_space<hbm>> -> memref<1000xi32, #tpu.memory_space<hbm>>
        tpu.enqueue_dma source(%dma_start3A_208 : memref<1000xi32, #tpu.memory_space<hbm>>) target(%arg13 : memref<1000xi32, #tpu.memory_space<vmem>>) target_semaphore(%run_scoped3A : memref<!tpu.dma_semaphore, #tpu.memory_space<semaphore_mem>>)
        %dma_wait3A_209 = tpu.memref_slice %arg5[%add3A_197] : memref<1600000xi32, #tpu.memory_space<hbm>> -> memref<1000xi32, #tpu.memory_space<hbm>>
        %dma_wait3A_210 = tpu.memref_slice %arg5[%add3A_197] : memref<1600000xi32, #tpu.memory_space<hbm>> -> memref<1000xi32, #tpu.memory_space<hbm>>
        tpu.wait_dma2 semaphore(%run_scoped3A : memref<!tpu.dma_semaphore, #tpu.memory_space<semaphore_mem>>) src(%dma_wait3A_210 : memref<1000xi32, #tpu.memory_space<hbm>>) dst(%arg13 : memref<1000xi32, #tpu.memory_space<vmem>>)
        tpu.yield
      }) : () -> ()
      %dma_start3A_198 = arith.constant 0 : i32
      %dma_start3A_199 = arith.constant 0 : i32
      %dma_start3A_200 = tpu.memref_slice %arg2[%dma_start3A_198, %dma_start3A_199] : memref<100000x16xf32, #tpu.memory_space<hbm>> -> memref<100000x16xf32, #tpu.memory_space<hbm>>
      tpu.enqueue_indirect_dma source(%dma_start3A_200 : memref<100000x16xf32, #tpu.memory_space<hbm>>) target(%arg14 : memref<1000x16xf32, #tpu.memory_space<vmem>>) offsets(%arg13 : memref<1000xi32, #tpu.memory_space<vmem>>) semaphore(%arg18 : memref<!tpu.dma_semaphore, #tpu.memory_space<semaphore_mem>>)
      %dma_start3A_201 = arith.constant 0 : i32
      %dma_start3A_202 = arith.constant 0 : i32
      %dma_start3A_203 = tpu.memref_slice %arg3[%dma_start3A_201, %dma_start3A_202] : memref<100000x16xf32, #tpu.memory_space<hbm>> -> memref<100000x16xf32, #tpu.memory_space<hbm>>
      tpu.enqueue_indirect_dma source(%dma_start3A_203 : memref<100000x16xf32, #tpu.memory_space<hbm>>) target(%arg15 : memref<1000x16xf32, #tpu.memory_space<vmem>>) offsets(%arg13 : memref<1000xi32, #tpu.memory_space<vmem>>) semaphore(%arg18 : memref<!tpu.dma_semaphore, #tpu.memory_space<semaphore_mem>>)
      %dma_start3A_204 = arith.constant 0 : i32
      %dma_start3A_205 = arith.constant 0 : i32
      %dma_start3A_206 = tpu.memref_slice %arg4[%dma_start3A_204, %dma_start3A_205] : memref<100000x16xf32, #tpu.memory_space<hbm>> -> memref<100000x16xf32, #tpu.memory_space<hbm>>
      tpu.enqueue_indirect_dma source(%dma_start3A_206 : memref<100000x16xf32, #tpu.memory_space<hbm>>) target(%arg16 : memref<1000x16xf32, #tpu.memory_space<vmem>>) offsets(%arg13 : memref<1000xi32, #tpu.memory_space<vmem>>) semaphore(%arg18 : memref<!tpu.dma_semaphore, #tpu.memory_space<semaphore_mem>>)
    }
    %scan3A_28 = arith.constant 24 : i32
    %dma_wait3A = arith.constant 0 : i32
    %dma_wait3A_29 = arith.constant 0 : i32
    %dma_wait3A_30 = tpu.memref_slice %arg2[%dma_wait3A, %dma_wait3A_29] : memref<100000x16xf32, #tpu.memory_space<hbm>> -> memref<100000x16xf32, #tpu.memory_space<hbm>>
    tpu.wait_indirect_dma semaphore(%arg17 : memref<!tpu.dma_semaphore, #tpu.memory_space<semaphore_mem>>) src(%dma_wait3A_30 : memref<100000x16xf32, #tpu.memory_space<hbm>>) dst(%arg10 : memref<1000x16xf32, #tpu.memory_space<vmem>>)
    %dma_wait3A_31 = arith.constant 0 : i32
    %dma_wait3A_32 = arith.constant 0 : i32
    %dma_wait3A_33 = tpu.memref_slice %arg3[%dma_wait3A_31, %dma_wait3A_32] : memref<100000x16xf32, #tpu.memory_space<hbm>> -> memref<100000x16xf32, #tpu.memory_space<hbm>>
    tpu.wait_indirect_dma semaphore(%arg17 : memref<!tpu.dma_semaphore, #tpu.memory_space<semaphore_mem>>) src(%dma_wait3A_33 : memref<100000x16xf32, #tpu.memory_space<hbm>>) dst(%arg11 : memref<1000x16xf32, #tpu.memory_space<vmem>>)
    %dma_wait3A_34 = arith.constant 0 : i32
    %dma_wait3A_35 = arith.constant 0 : i32
    %dma_wait3A_36 = tpu.memref_slice %arg4[%dma_wait3A_34, %dma_wait3A_35] : memref<100000x16xf32, #tpu.memory_space<hbm>> -> memref<100000x16xf32, #tpu.memory_space<hbm>>
    tpu.wait_indirect_dma semaphore(%arg17 : memref<!tpu.dma_semaphore, #tpu.memory_space<semaphore_mem>>) src(%dma_wait3A_36 : memref<100000x16xf32, #tpu.memory_space<hbm>>) dst(%arg12 : memref<1000x16xf32, #tpu.memory_space<vmem>>)
    %add3A_37 = arith.constant 48000 : i32
    %add3A_38 = arith.addi %mul3A_2, %add3A_37 : i32
    %dma_start3A_39 = arith.constant 0 : i32
    %dma_start3A_40 = tpu.memref_slice %arg6[%add3A_38, %dma_start3A_39] : memref<1600000x16xf32, #tpu.memory_space<hbm>> -> memref<1000x16xf32, #tpu.memory_space<hbm>>
    %dma_start3A_41 = arith.constant 0 : i32
    %dma_start3A_42 = tpu.memref_slice %arg6[%add3A_38, %dma_start3A_41] : memref<1600000x16xf32, #tpu.memory_space<hbm>> -> memref<1000x16xf32, #tpu.memory_space<hbm>>
    tpu.enqueue_dma source(%arg10 : memref<1000x16xf32, #tpu.memory_space<vmem>>) target(%dma_start3A_42 : memref<1000x16xf32, #tpu.memory_space<hbm>>) target_semaphore(%arg19 : memref<!tpu.dma_semaphore, #tpu.memory_space<semaphore_mem>>)
    %dma_start3A_43 = arith.constant 0 : i32
    %dma_start3A_44 = tpu.memref_slice %arg7[%add3A_38, %dma_start3A_43] : memref<1600000x16xf32, #tpu.memory_space<hbm>> -> memref<1000x16xf32, #tpu.memory_space<hbm>>
    %dma_start3A_45 = arith.constant 0 : i32
    %dma_start3A_46 = tpu.memref_slice %arg7[%add3A_38, %dma_start3A_45] : memref<1600000x16xf32, #tpu.memory_space<hbm>> -> memref<1000x16xf32, #tpu.memory_space<hbm>>
    tpu.enqueue_dma source(%arg11 : memref<1000x16xf32, #tpu.memory_space<vmem>>) target(%dma_start3A_46 : memref<1000x16xf32, #tpu.memory_space<hbm>>) target_semaphore(%arg19 : memref<!tpu.dma_semaphore, #tpu.memory_space<semaphore_mem>>)
    %dma_start3A_47 = arith.constant 0 : i32
    %dma_start3A_48 = tpu.memref_slice %arg8[%add3A_38, %dma_start3A_47] : memref<1600000x16xf32, #tpu.memory_space<hbm>> -> memref<1000x16xf32, #tpu.memory_space<hbm>>
    %dma_start3A_49 = arith.constant 0 : i32
    %dma_start3A_50 = tpu.memref_slice %arg8[%add3A_38, %dma_start3A_49] : memref<1600000x16xf32, #tpu.memory_space<hbm>> -> memref<1000x16xf32, #tpu.memory_space<hbm>>
    tpu.enqueue_dma source(%arg12 : memref<1000x16xf32, #tpu.memory_space<vmem>>) target(%dma_start3A_50 : memref<1000x16xf32, #tpu.memory_space<hbm>>) target_semaphore(%arg19 : memref<!tpu.dma_semaphore, #tpu.memory_space<semaphore_mem>>)
    %dma_wait3A_51 = arith.constant 0 : i32
    %dma_wait3A_52 = tpu.memref_slice %arg6[%add3A_38, %dma_wait3A_51] : memref<1600000x16xf32, #tpu.memory_space<hbm>> -> memref<1000x16xf32, #tpu.memory_space<hbm>>
    %dma_wait3A_53 = arith.constant 0 : i32
    %dma_wait3A_54 = tpu.memref_slice %arg6[%add3A_38, %dma_wait3A_53] : memref<1600000x16xf32, #tpu.memory_space<hbm>> -> memref<1000x16xf32, #tpu.memory_space<hbm>>
    tpu.wait_dma2 semaphore(%arg19 : memref<!tpu.dma_semaphore, #tpu.memory_space<semaphore_mem>>) src(%arg10 : memref<1000x16xf32, #tpu.memory_space<vmem>>) dst(%dma_wait3A_54 : memref<1000x16xf32, #tpu.memory_space<hbm>>)
    %dma_wait3A_55 = arith.constant 0 : i32
    %dma_wait3A_56 = tpu.memref_slice %arg7[%add3A_38, %dma_wait3A_55] : memref<1600000x16xf32, #tpu.memory_space<hbm>> -> memref<1000x16xf32, #tpu.memory_space<hbm>>
    %dma_wait3A_57 = arith.constant 0 : i32
    %dma_wait3A_58 = tpu.memref_slice %arg7[%add3A_38, %dma_wait3A_57] : memref<1600000x16xf32, #tpu.memory_space<hbm>> -> memref<1000x16xf32, #tpu.memory_space<hbm>>
    tpu.wait_dma2 semaphore(%arg19 : memref<!tpu.dma_semaphore, #tpu.memory_space<semaphore_mem>>) src(%arg11 : memref<1000x16xf32, #tpu.memory_space<vmem>>) dst(%dma_wait3A_58 : memref<1000x16xf32, #tpu.memory_space<hbm>>)
    %dma_wait3A_59 = arith.constant 0 : i32
    %dma_wait3A_60 = tpu.memref_slice %arg8[%add3A_38, %dma_wait3A_59] : memref<1600000x16xf32, #tpu.memory_space<hbm>> -> memref<1000x16xf32, #tpu.memory_space<hbm>>
    %dma_wait3A_61 = arith.constant 0 : i32
    %dma_wait3A_62 = tpu.memref_slice %arg8[%add3A_38, %dma_wait3A_61] : memref<1600000x16xf32, #tpu.memory_space<hbm>> -> memref<1000x16xf32, #tpu.memory_space<hbm>>
    tpu.wait_dma2 semaphore(%arg19 : memref<!tpu.dma_semaphore, #tpu.memory_space<semaphore_mem>>) src(%arg12 : memref<1000x16xf32, #tpu.memory_space<vmem>>) dst(%dma_wait3A_62 : memref<1000x16xf32, #tpu.memory_space<hbm>>)
    %dma_wait3A_63 = arith.constant 0 : i32
    %dma_wait3A_64 = arith.constant 0 : i32
    %dma_wait3A_65 = tpu.memref_slice %arg2[%dma_wait3A_63, %dma_wait3A_64] : memref<100000x16xf32, #tpu.memory_space<hbm>> -> memref<100000x16xf32, #tpu.memory_space<hbm>>
    tpu.wait_indirect_dma semaphore(%arg18 : memref<!tpu.dma_semaphore, #tpu.memory_space<semaphore_mem>>) src(%dma_wait3A_65 : memref<100000x16xf32, #tpu.memory_space<hbm>>) dst(%arg14 : memref<1000x16xf32, #tpu.memory_space<vmem>>)
    %dma_wait3A_66 = arith.constant 0 : i32
    %dma_wait3A_67 = arith.constant 0 : i32
    %dma_wait3A_68 = tpu.memref_slice %arg3[%dma_wait3A_66, %dma_wait3A_67] : memref<100000x16xf32, #tpu.memory_space<hbm>> -> memref<100000x16xf32, #tpu.memory_space<hbm>>
    tpu.wait_indirect_dma semaphore(%arg18 : memref<!tpu.dma_semaphore, #tpu.memory_space<semaphore_mem>>) src(%dma_wait3A_68 : memref<100000x16xf32, #tpu.memory_space<hbm>>) dst(%arg15 : memref<1000x16xf32, #tpu.memory_space<vmem>>)
    %dma_wait3A_69 = arith.constant 0 : i32
    %dma_wait3A_70 = arith.constant 0 : i32
    %dma_wait3A_71 = tpu.memref_slice %arg4[%dma_wait3A_69, %dma_wait3A_70] : memref<100000x16xf32, #tpu.memory_space<hbm>> -> memref<100000x16xf32, #tpu.memory_space<hbm>>
    tpu.wait_indirect_dma semaphore(%arg18 : memref<!tpu.dma_semaphore, #tpu.memory_space<semaphore_mem>>) src(%dma_wait3A_71 : memref<100000x16xf32, #tpu.memory_space<hbm>>) dst(%arg16 : memref<1000x16xf32, #tpu.memory_space<vmem>>)
    %add3A_72 = arith.constant 49000 : i32
    %add3A_73 = arith.addi %mul3A_2, %add3A_72 : i32
    %dma_start3A_74 = arith.constant 0 : i32
    %dma_start3A_75 = tpu.memref_slice %arg6[%add3A_73, %dma_start3A_74] : memref<1600000x16xf32, #tpu.memory_space<hbm>> -> memref<1000x16xf32, #tpu.memory_space<hbm>>
    %dma_start3A_76 = arith.constant 0 : i32
    %dma_start3A_77 = tpu.memref_slice %arg6[%add3A_73, %dma_start3A_76] : memref<1600000x16xf32, #tpu.memory_space<hbm>> -> memref<1000x16xf32, #tpu.memory_space<hbm>>
    tpu.enqueue_dma source(%arg14 : memref<1000x16xf32, #tpu.memory_space<vmem>>) target(%dma_start3A_77 : memref<1000x16xf32, #tpu.memory_space<hbm>>) target_semaphore(%arg20 : memref<!tpu.dma_semaphore, #tpu.memory_space<semaphore_mem>>)
    %dma_start3A_78 = arith.constant 0 : i32
    %dma_start3A_79 = tpu.memref_slice %arg7[%add3A_73, %dma_start3A_78] : memref<1600000x16xf32, #tpu.memory_space<hbm>> -> memref<1000x16xf32, #tpu.memory_space<hbm>>
    %dma_start3A_80 = arith.constant 0 : i32
    %dma_start3A_81 = tpu.memref_slice %arg7[%add3A_73, %dma_start3A_80] : memref<1600000x16xf32, #tpu.memory_space<hbm>> -> memref<1000x16xf32, #tpu.memory_space<hbm>>
    tpu.enqueue_dma source(%arg15 : memref<1000x16xf32, #tpu.memory_space<vmem>>) target(%dma_start3A_81 : memref<1000x16xf32, #tpu.memory_space<hbm>>) target_semaphore(%arg20 : memref<!tpu.dma_semaphore, #tpu.memory_space<semaphore_mem>>)
    %dma_start3A_82 = arith.constant 0 : i32
    %dma_start3A_83 = tpu.memref_slice %arg8[%add3A_73, %dma_start3A_82] : memref<1600000x16xf32, #tpu.memory_space<hbm>> -> memref<1000x16xf32, #tpu.memory_space<hbm>>
    %dma_start3A_84 = arith.constant 0 : i32
    %dma_start3A_85 = tpu.memref_slice %arg8[%add3A_73, %dma_start3A_84] : memref<1600000x16xf32, #tpu.memory_space<hbm>> -> memref<1000x16xf32, #tpu.memory_space<hbm>>
    tpu.enqueue_dma source(%arg16 : memref<1000x16xf32, #tpu.memory_space<vmem>>) target(%dma_start3A_85 : memref<1000x16xf32, #tpu.memory_space<hbm>>) target_semaphore(%arg20 : memref<!tpu.dma_semaphore, #tpu.memory_space<semaphore_mem>>)
    %dma_wait3A_86 = arith.constant 0 : i32
    %dma_wait3A_87 = tpu.memref_slice %arg6[%add3A_73, %dma_wait3A_86] : memref<1600000x16xf32, #tpu.memory_space<hbm>> -> memref<1000x16xf32, #tpu.memory_space<hbm>>
    %dma_wait3A_88 = arith.constant 0 : i32
    %dma_wait3A_89 = tpu.memref_slice %arg6[%add3A_73, %dma_wait3A_88] : memref<1600000x16xf32, #tpu.memory_space<hbm>> -> memref<1000x16xf32, #tpu.memory_space<hbm>>
    tpu.wait_dma2 semaphore(%arg20 : memref<!tpu.dma_semaphore, #tpu.memory_space<semaphore_mem>>) src(%arg14 : memref<1000x16xf32, #tpu.memory_space<vmem>>) dst(%dma_wait3A_89 : memref<1000x16xf32, #tpu.memory_space<hbm>>)
    %dma_wait3A_90 = arith.constant 0 : i32
    %dma_wait3A_91 = tpu.memref_slice %arg7[%add3A_73, %dma_wait3A_90] : memref<1600000x16xf32, #tpu.memory_space<hbm>> -> memref<1000x16xf32, #tpu.memory_space<hbm>>
    %dma_wait3A_92 = arith.constant 0 : i32
    %dma_wait3A_93 = tpu.memref_slice %arg7[%add3A_73, %dma_wait3A_92] : memref<1600000x16xf32, #tpu.memory_space<hbm>> -> memref<1000x16xf32, #tpu.memory_space<hbm>>
    tpu.wait_dma2 semaphore(%arg20 : memref<!tpu.dma_semaphore, #tpu.memory_space<semaphore_mem>>) src(%arg15 : memref<1000x16xf32, #tpu.memory_space<vmem>>) dst(%dma_wait3A_93 : memref<1000x16xf32, #tpu.memory_space<hbm>>)
    %dma_wait3A_94 = arith.constant 0 : i32
    %dma_wait3A_95 = tpu.memref_slice %arg8[%add3A_73, %dma_wait3A_94] : memref<1600000x16xf32, #tpu.memory_space<hbm>> -> memref<1000x16xf32, #tpu.memory_space<hbm>>
    %dma_wait3A_96 = arith.constant 0 : i32
    %dma_wait3A_97 = tpu.memref_slice %arg8[%add3A_73, %dma_wait3A_96] : memref<1600000x16xf32, #tpu.memory_space<hbm>> -> memref<1000x16xf32, #tpu.memory_space<hbm>>
    tpu.wait_dma2 semaphore(%arg20 : memref<!tpu.dma_semaphore, #tpu.memory_space<semaphore_mem>>) src(%arg16 : memref<1000x16xf32, #tpu.memory_space<vmem>>) dst(%dma_wait3A_97 : memref<1000x16xf32, #tpu.memory_space<hbm>>)
    return
  }
}

module attributes {stable_mosaic.version = 14 : i64} {
  func.func @_prep_body(%arg0: i32, %arg1: memref<2000x3xf32, #tpu.memory_space<vmem>>, %arg2: memref<2000x32xf32, #tpu.memory_space<vmem>>, %arg3: memref<16x32xf32, #tpu.memory_space<vmem>>, %arg4: memref<1x32xf32, #tpu.memory_space<vmem>>, %arg5: memref<2000x16xf32, #tpu.memory_space<vmem>>, %arg6: memref<2000x16xf32, #tpu.memory_space<vmem>>, %arg7: memref<2000x16xf32, #tpu.memory_space<vmem>>, %arg8: memref<4000x32xf32, #tpu.memory_space<vmem>>) attributes {dimension_semantics = [#tpu.dimension_semantics<arbitrary>], iteration_bounds = array<i64: 50>, scalar_prefetch = 0 : i64, scratch_operands = 0 : i64, tpu.core_type = #tpu.core_type<tc>, window_params = [{transform_indices = @transform_0, window_bounds = array<i64: 2000, 3>}, {transform_indices = @transform_1, window_bounds = array<i64: 2000, 32>}, {pipeline_mode = #tpu.pipeline_mode<synchronous>, transform_indices = @transform_2, window_bounds = array<i64: 16, 32>}, {pipeline_mode = #tpu.pipeline_mode<synchronous>, transform_indices = @transform_3, window_bounds = array<i64: 1, 32>}, {transform_indices = @transform_4, window_bounds = array<i64: 2000, 16>}, {transform_indices = @transform_5, window_bounds = array<i64: 2000, 16>}, {transform_indices = @transform_6, window_bounds = array<i64: 2000, 16>}, {transform_indices = @transform_7, window_bounds = array<i64: 4000, 32>}]} {
    %get3A = arith.constant 0 : index
    %get3A_0 = arith.constant 0 : index
    %get3A_1 = vector.load %arg1[%get3A, %get3A_0] : memref<2000x3xf32, #tpu.memory_space<vmem>>, vector<2000x3xf32>
    %get3A_2 = arith.constant 0 : index
    %get3A_3 = arith.constant 0 : index
    %get3A_4 = vector.load %arg2[%get3A_2, %get3A_3] : memref<2000x32xf32, #tpu.memory_space<vmem>>, vector<2000x32xf32>
    %broadcast_in_dim3A = arith.constant 0.000000e+00 : f32
    %broadcast_in_dim3A_5 = vector.broadcast %broadcast_in_dim3A : f32 to vector<2000x13xf32>
    %concatenate3A = tpu.concatenate %get3A_1, %broadcast_in_dim3A_5 in 1 : vector<2000x3xf32>, vector<2000x13xf32> -> vector<2000x16xf32>
    %swap3A = arith.constant 0 : index
    %swap3A_6 = arith.constant 0 : index
    %swap3A_7 = vector.load %arg5[%swap3A, %swap3A_6] : memref<2000x16xf32, #tpu.memory_space<vmem>>, vector<2000x16xf32>
    tpu.vector_store %arg5[%swap3A, %swap3A_6], %concatenate3A {strides = array<i32>} : memref<2000x16xf32, #tpu.memory_space<vmem>>, vector<2000x16xf32>,
    %slice3A = vector.extract_strided_slice %get3A_4 {offsets = [0, 0], sizes = [2000, 16], strides = [1, 1]} : vector<2000x32xf32> to vector<2000x16xf32>
    %swap3A_8 = arith.constant 0 : index
    %swap3A_9 = arith.constant 0 : index
    %swap3A_10 = vector.load %arg6[%swap3A_8, %swap3A_9] : memref<2000x16xf32, #tpu.memory_space<vmem>>, vector<2000x16xf32>
    tpu.vector_store %arg6[%swap3A_8, %swap3A_9], %slice3A {strides = array<i32>} : memref<2000x16xf32, #tpu.memory_space<vmem>>, vector<2000x16xf32>,
    %slice3A_11 = vector.extract_strided_slice %get3A_4 {offsets = [0, 16], sizes = [2000, 16], strides = [1, 1]} : vector<2000x32xf32> to vector<2000x16xf32>
    %swap3A_12 = arith.constant 0 : index
    %swap3A_13 = arith.constant 0 : index
    %swap3A_14 = vector.load %arg7[%swap3A_12, %swap3A_13] : memref<2000x16xf32, #tpu.memory_space<vmem>>, vector<2000x16xf32>
    tpu.vector_store %arg7[%swap3A_12, %swap3A_13], %slice3A_11 {strides = array<i32>} : memref<2000x16xf32, #tpu.memory_space<vmem>>, vector<2000x16xf32>,
    %get3A_15 = arith.constant 0 : index
    %get3A_16 = arith.constant 0 : index
    %get3A_17 = vector.load %arg3[%get3A_15, %get3A_16] : memref<16x32xf32, #tpu.memory_space<vmem>>, vector<16x32xf32>
    %dot_general3A = arith.constant dense<0.000000e+00> : vector<2000x32xf32>
    %dot_general3A_18 = tpu.matmul %concatenate3A, %get3A_17, %dot_general3A {dimension_numbers = #tpu.dot_dimension_numbers<[1], [0], [0], [1], [0, 0, 1, 1], [], []>, transpose_lhs_hint = false} : vector<2000x16xf32>, vector<16x32xf32>, vector<2000x32xf32> -> vector<2000x32xf32>
    %get3A_19 = arith.constant 0 : index
    %get3A_20 = arith.constant 0 : index
    %get3A_21 = vector.load %arg4[%get3A_19, %get3A_20] : memref<1x32xf32, #tpu.memory_space<vmem>>, vector<1x32xf32>
    %add3A = vector.broadcast %get3A_21 : vector<1x32xf32> to vector<2000x32xf32>
    %add3A_22 = arith.addf %dot_general3A_18, %add3A : vector<2000x32xf32>
    %broadcast_in_dim3A_23 = vector.shape_cast %add3A_22 : vector<2000x32xf32> to vector<2000x1x32xf32>
    %broadcast_in_dim3A_24 = vector.shape_cast %broadcast_in_dim3A_23 : vector<2000x1x32xf32> to vector<2000x1x32xf32>
    %broadcast_in_dim3A_25 = vector.broadcast %broadcast_in_dim3A_24 : vector<2000x1x32xf32> to vector<2000x2x32xf32>
    %reshape3A = vector.shape_cast %broadcast_in_dim3A_25 : vector<2000x2x32xf32> to vector<4000x32xf32>
    %swap3A_26 = arith.constant 0 : index
    %swap3A_27 = arith.constant 0 : index
    %swap3A_28 = vector.load %arg8[%swap3A_26, %swap3A_27] : memref<4000x32xf32, #tpu.memory_space<vmem>>, vector<4000x32xf32>
    tpu.vector_store %arg8[%swap3A_26, %swap3A_27], %reshape3A {strides = array<i32>} : memref<4000x32xf32, #tpu.memory_space<vmem>>, vector<4000x32xf32>,
    return
  }
  func.func @transform_0(%arg0: i32) -> (i32, i32) {
    %c0_i32 = arith.constant 0 : i32
    %c0_i32_0 = arith.constant 0 : i32
    return %arg0, %c0_i32 : i32, i32
  }
  func.func @transform_1(%arg0: i32) -> (i32, i32) {
    %c0_i32 = arith.constant 0 : i32
    %c0_i32_0 = arith.constant 0 : i32
    return %arg0, %c0_i32 : i32, i32
  }
  func.func @transform_2(%arg0: i32) -> (i32, i32) {
    %c0_i32 = arith.constant 0 : i32
    %c0_i32_0 = arith.constant 0 : i32
    %c0_i32_1 = arith.constant 0 : i32
    return %c0_i32, %c0_i32_0 : i32, i32
  }
  func.func @transform_3(%arg0: i32) -> (i32, i32) {
    %c0_i32 = arith.constant 0 : i32
    %c0_i32_0 = arith.constant 0 : i32
    %c0_i32_1 = arith.constant 0 : i32
    return %c0_i32, %c0_i32_0 : i32, i32
  }
  func.func @transform_4(%arg0: i32) -> (i32, i32) {
    %c0_i32 = arith.constant 0 : i32
    %c0_i32_0 = arith.constant 0 : i32
    return %arg0, %c0_i32 : i32, i32
  }
  func.func @transform_5(%arg0: i32) -> (i32, i32) {
    %c0_i32 = arith.constant 0 : i32
    %c0_i32_0 = arith.constant 0 : i32
    return %arg0, %c0_i32 : i32, i32
  }
  func.func @transform_6(%arg0: i32) -> (i32, i32) {
    %c0_i32 = arith.constant 0 : i32
    %c0_i32_0 = arith.constant 0 : i32
    return %arg0, %c0_i32 : i32, i32
  }
  func.func @transform_7(%arg0: i32) -> (i32, i32) {
    %c0_i32 = arith.constant 0 : i32
    %c0_i32_0 = arith.constant 0 : i32
    return %arg0, %c0_i32 : i32, i32
  }
}

module attributes {stable_mosaic.version = 14 : i64} {
  func.func @_main_body(%arg0: i32, %arg1: memref<2000x128xf32, #tpu.memory_space<vmem>>, %arg2: memref<2000x128xf32, #tpu.memory_space<vmem>>, %arg3: memref<2000x128xf32, #tpu.memory_space<vmem>>, %arg4: memref<2000x32xf32, #tpu.memory_space<vmem>>, %arg5: memref<160x256xf32, #tpu.memory_space<vmem>>, %arg6: memref<256x128xf32, #tpu.memory_space<vmem>>, %arg7: memref<256x128xf32, #tpu.memory_space<vmem>>, %arg8: memref<1x128xf32, #tpu.memory_space<vmem>>, %arg9: memref<1x128xf32, #tpu.memory_space<vmem>>, %arg10: memref<1000x32xf32, #tpu.memory_space<vmem>>) attributes {dimension_semantics = [#tpu.dimension_semantics<arbitrary>], iteration_bounds = array<i64: 100>, scalar_prefetch = 0 : i64, scratch_operands = 0 : i64, tpu.core_type = #tpu.core_type<tc>, window_params = [{transform_indices = @transform_0, window_bounds = array<i64: 2000, 128>}, {transform_indices = @transform_1, window_bounds = array<i64: 2000, 128>}, {transform_indices = @transform_2, window_bounds = array<i64: 2000, 128>}, {transform_indices = @transform_3, window_bounds = array<i64: 2000, 32>}, {pipeline_mode = #tpu.pipeline_mode<synchronous>, transform_indices = @transform_4, window_bounds = array<i64: 160, 256>}, {pipeline_mode = #tpu.pipeline_mode<synchronous>, transform_indices = @transform_5, window_bounds = array<i64: 256, 128>}, {pipeline_mode = #tpu.pipeline_mode<synchronous>, transform_indices = @transform_6, window_bounds = array<i64: 256, 128>}, {pipeline_mode = #tpu.pipeline_mode<synchronous>, transform_indices = @transform_7, window_bounds = array<i64: 1, 128>}, {pipeline_mode = #tpu.pipeline_mode<synchronous>, transform_indices = @transform_8, window_bounds = array<i64: 1, 128>}, {transform_indices = @transform_9, window_bounds = array<i64: 1000, 32>}]} {
    %get3A = arith.constant 0 : index
    %get3A_0 = arith.constant 0 : index
    %get3A_1 = vector.load %arg1[%get3A, %get3A_0] : memref<2000x128xf32, #tpu.memory_space<vmem>>, vector<2000x128xf32>
    %get3A_2 = arith.constant 0 : index
    %get3A_3 = arith.constant 0 : index
    %get3A_4 = vector.load %arg4[%get3A_2, %get3A_3] : memref<2000x32xf32, #tpu.memory_space<vmem>>, vector<2000x32xf32>
    %concatenate3A = tpu.concatenate %get3A_1, %get3A_4 in 1 : vector<2000x128xf32>, vector<2000x32xf32> -> vector<2000x160xf32>
    %get3A_5 = arith.constant 0 : index
    %get3A_6 = arith.constant 0 : index
    %get3A_7 = vector.load %arg5[%get3A_5, %get3A_6] : memref<160x256xf32, #tpu.memory_space<vmem>>, vector<160x256xf32>
    %dot_general3A = arith.constant dense<0.000000e+00> : vector<2000x256xf32>
    %dot_general3A_8 = tpu.matmul %concatenate3A, %get3A_7, %dot_general3A {dimension_numbers = #tpu.dot_dimension_numbers<[1], [0], [0], [1], [0, 0, 1, 1], [], []>, transpose_lhs_hint = false} : vector<2000x160xf32>, vector<160x256xf32>, vector<2000x256xf32> -> vector<2000x256xf32>
    %integer_pow3A = arith.mulf %dot_general3A_8, %dot_general3A_8 : vector<2000x256xf32>
    %integer_pow3A_9 = arith.mulf %dot_general3A_8, %integer_pow3A : vector<2000x256xf32>
    %mul3A = arith.constant 4.471500e-02 : f32
    %mul3A_10 = vector.broadcast %mul3A : f32 to vector<2000x256xf32>
    %mul3A_11 = arith.mulf %mul3A_10, %integer_pow3A_9 : vector<2000x256xf32>
    %add3A = arith.addf %dot_general3A_8, %mul3A_11 : vector<2000x256xf32>
    %mul3A_12 = arith.constant 0.797884583 : f32
    %mul3A_13 = vector.broadcast %mul3A_12 : f32 to vector<2000x256xf32>
    %mul3A_14 = arith.mulf %mul3A_13, %add3A : vector<2000x256xf32>
    %tanh3A = math.tanh %mul3A_14 : vector<2000x256xf32>
    %add3A_15 = arith.constant 1.000000e+00 : f32
    %add3A_16 = vector.broadcast %add3A_15 : f32 to vector<2000x256xf32>
    %add3A_17 = arith.addf %add3A_16, %tanh3A : vector<2000x256xf32>
    %mul3A_18 = arith.constant 5.000000e-01 : f32
    %mul3A_19 = vector.broadcast %mul3A_18 : f32 to vector<2000x256xf32>
    %mul3A_20 = arith.mulf %mul3A_19, %add3A_17 : vector<2000x256xf32>
    %mul3A_21 = arith.mulf %dot_general3A_8, %mul3A_20 : vector<2000x256xf32>
    %get3A_22 = arith.constant 0 : index
    %get3A_23 = arith.constant 0 : index
    %get3A_24 = vector.load %arg6[%get3A_22, %get3A_23] : memref<256x128xf32, #tpu.memory_space<vmem>>, vector<256x128xf32>
    %dot_general3A_25 = arith.constant dense<0.000000e+00> : vector<2000x128xf32>
    %dot_general3A_26 = tpu.matmul %mul3A_21, %get3A_24, %dot_general3A_25 {dimension_numbers = #tpu.dot_dimension_numbers<[1], [0], [0], [1], [0, 0, 1, 1], [], []>, transpose_lhs_hint = false} : vector<2000x256xf32>, vector<256x128xf32>, vector<2000x128xf32> -> vector<2000x128xf32>
    %get3A_27 = arith.constant 0 : index
    %get3A_28 = arith.constant 0 : index
    %get3A_29 = vector.load %arg8[%get3A_27, %get3A_28] : memref<1x128xf32, #tpu.memory_space<vmem>>, vector<1x128xf32>
    %add3A_30 = vector.broadcast %get3A_29 : vector<1x128xf32> to vector<2000x128xf32>
    %add3A_31 = arith.addf %dot_general3A_26, %add3A_30 : vector<2000x128xf32>
    %get3A_32 = arith.constant 0 : index
    %get3A_33 = arith.constant 0 : index
    %get3A_34 = vector.load %arg7[%get3A_32, %get3A_33] : memref<256x128xf32, #tpu.memory_space<vmem>>, vector<256x128xf32>
    %dot_general3A_35 = arith.constant dense<0.000000e+00> : vector<2000x128xf32>
    %dot_general3A_36 = tpu.matmul %mul3A_21, %get3A_34, %dot_general3A_35 {dimension_numbers = #tpu.dot_dimension_numbers<[1], [0], [0], [1], [0, 0, 1, 1], [], []>, transpose_lhs_hint = false} : vector<2000x256xf32>, vector<256x128xf32>, vector<2000x128xf32> -> vector<2000x128xf32>
    %get3A_37 = arith.constant 0 : index
    %get3A_38 = arith.constant 0 : index
    %get3A_39 = vector.load %arg9[%get3A_37, %get3A_38] : memref<1x128xf32, #tpu.memory_space<vmem>>, vector<1x128xf32>
    %add3A_40 = vector.broadcast %get3A_39 : vector<1x128xf32> to vector<2000x128xf32>
    %add3A_41 = arith.addf %dot_general3A_36, %add3A_40 : vector<2000x128xf32>
    %get3A_42 = arith.constant 0 : index
    %get3A_43 = arith.constant 0 : index
    %get3A_44 = vector.load %arg2[%get3A_42, %get3A_43] : memref<2000x128xf32, #tpu.memory_space<vmem>>, vector<2000x128xf32>
    %mul3A_45 = arith.mulf %add3A_31, %get3A_44 : vector<2000x128xf32>
    %get3A_46 = arith.constant 0 : index
    %get3A_47 = arith.constant 0 : index
    %get3A_48 = vector.load %arg3[%get3A_46, %get3A_47] : memref<2000x128xf32, #tpu.memory_space<vmem>>, vector<2000x128xf32>
    %mul3A_49 = arith.mulf %add3A_41, %get3A_48 : vector<2000x128xf32>
    %slice3A = vector.extract_strided_slice %mul3A_45 {offsets = [0, 0], sizes = [2000, 64], strides = [1, 1]} : vector<2000x128xf32> to vector<2000x64xf32>
    %slice3A_50 = vector.extract_strided_slice %mul3A_45 {offsets = [0, 64], sizes = [2000, 64], strides = [1, 1]} : vector<2000x128xf32> to vector<2000x64xf32>
    %add3A_51 = arith.addf %slice3A, %slice3A_50 : vector<2000x64xf32>
    %slice3A_52 = vector.extract_strided_slice %add3A_51 {offsets = [0, 0], sizes = [2000, 32], strides = [1, 1]} : vector<2000x64xf32> to vector<2000x32xf32>
    %slice3A_53 = vector.extract_strided_slice %add3A_51 {offsets = [0, 32], sizes = [2000, 32], strides = [1, 1]} : vector<2000x64xf32> to vector<2000x32xf32>
    %add3A_54 = arith.addf %slice3A_52, %slice3A_53 : vector<2000x32xf32>
    %slice3A_55 = vector.extract_strided_slice %add3A_54 {offsets = [0, 0], sizes = [2000, 16], strides = [1, 1]} : vector<2000x32xf32> to vector<2000x16xf32>
    %slice3A_56 = vector.extract_strided_slice %add3A_54 {offsets = [0, 16], sizes = [2000, 16], strides = [1, 1]} : vector<2000x32xf32> to vector<2000x16xf32>
    %add3A_57 = arith.addf %slice3A_55, %slice3A_56 : vector<2000x16xf32>
    %slice3A_58 = vector.extract_strided_slice %mul3A_49 {offsets = [0, 0], sizes = [2000, 64], strides = [1, 1]} : vector<2000x128xf32> to vector<2000x64xf32>
    %slice3A_59 = vector.extract_strided_slice %mul3A_49 {offsets = [0, 64], sizes = [2000, 64], strides = [1, 1]} : vector<2000x128xf32> to vector<2000x64xf32>
    %add3A_60 = arith.addf %slice3A_58, %slice3A_59 : vector<2000x64xf32>
    %slice3A_61 = vector.extract_strided_slice %add3A_60 {offsets = [0, 0], sizes = [2000, 32], strides = [1, 1]} : vector<2000x64xf32> to vector<2000x32xf32>
    %slice3A_62 = vector.extract_strided_slice %add3A_60 {offsets = [0, 32], sizes = [2000, 32], strides = [1, 1]} : vector<2000x64xf32> to vector<2000x32xf32>
    %add3A_63 = arith.addf %slice3A_61, %slice3A_62 : vector<2000x32xf32>
    %slice3A_64 = vector.extract_strided_slice %add3A_63 {offsets = [0, 0], sizes = [2000, 16], strides = [1, 1]} : vector<2000x32xf32> to vector<2000x16xf32>
    %slice3A_65 = vector.extract_strided_slice %add3A_63 {offsets = [0, 16], sizes = [2000, 16], strides = [1, 1]} : vector<2000x32xf32> to vector<2000x16xf32>
    %add3A_66 = arith.addf %slice3A_64, %slice3A_65 : vector<2000x16xf32>
    %concatenate3A_67 = tpu.concatenate %add3A_57, %add3A_66 in 1 : vector<2000x16xf32>, vector<2000x16xf32> -> vector<2000x32xf32>
    %reshape3A = vector.shape_cast %concatenate3A_67 : vector<2000x32xf32> to vector<1000x2x32xf32>
    %reduce_sum3A = arith.constant dense<0.000000e+00> : vector<1000x32xf32>
    %reduce_sum3A_68 = vector.multi_reduction <add>, %reshape3A, %reduce_sum3A [1] : vector<1000x2x32xf32> to vector<1000x32xf32>
    %mul3A_69 = arith.constant 6.250000e-02 : f32
    %mul3A_70 = vector.broadcast %mul3A_69 : f32 to vector<1000x32xf32>
    %mul3A_71 = arith.mulf %reduce_sum3A_68, %mul3A_70 : vector<1000x32xf32>
    %swap3A = arith.constant 0 : index
    %swap3A_72 = arith.constant 0 : index
    %swap3A_73 = vector.load %arg10[%swap3A, %swap3A_72] : memref<1000x32xf32, #tpu.memory_space<vmem>>, vector<1000x32xf32>
    tpu.vector_store %arg10[%swap3A, %swap3A_72], %mul3A_71 {strides = array<i32>} : memref<1000x32xf32, #tpu.memory_space<vmem>>, vector<1000x32xf32>,
    return
  }
  func.func @transform_0(%arg0: i32) -> (i32, i32) {
    %c0_i32 = arith.constant 0 : i32
    %c0_i32_0 = arith.constant 0 : i32
    return %arg0, %c0_i32 : i32, i32
  }
  func.func @transform_1(%arg0: i32) -> (i32, i32) {
    %c0_i32 = arith.constant 0 : i32
    %c0_i32_0 = arith.constant 0 : i32
    return %arg0, %c0_i32 : i32, i32
  }
  func.func @transform_2(%arg0: i32) -> (i32, i32) {
    %c0_i32 = arith.constant 0 : i32
    %c0_i32_0 = arith.constant 0 : i32
    return %arg0, %c0_i32 : i32, i32
  }
  func.func @transform_3(%arg0: i32) -> (i32, i32) {
    %c0_i32 = arith.constant 0 : i32
    %c0_i32_0 = arith.constant 0 : i32
    return %arg0, %c0_i32 : i32, i32
  }
  func.func @transform_4(%arg0: i32) -> (i32, i32) {
    %c0_i32 = arith.constant 0 : i32
    %c0_i32_0 = arith.constant 0 : i32
    %c0_i32_1 = arith.constant 0 : i32
    return %c0_i32, %c0_i32_0 : i32, i32
  }
  func.func @transform_5(%arg0: i32) -> (i32, i32) {
    %c0_i32 = arith.constant 0 : i32
    %c0_i32_0 = arith.constant 0 : i32
    %c0_i32_1 = arith.constant 0 : i32
    return %c0_i32, %c0_i32_0 : i32, i32
  }
  func.func @transform_6(%arg0: i32) -> (i32, i32) {
    %c0_i32 = arith.constant 0 : i32
    %c0_i32_0 = arith.constant 0 : i32
    %c0_i32_1 = arith.constant 0 : i32
    return %c0_i32, %c0_i32_0 : i32, i32
  }
  func.func @transform_7(%arg0: i32) -> (i32, i32) {
    %c0_i32 = arith.constant 0 : i32
    %c0_i32_0 = arith.constant 0 : i32
    %c0_i32_1 = arith.constant 0 : i32
    return %c0_i32, %c0_i32_0 : i32, i32
  }
  func.func @transform_8(%arg0: i32) -> (i32, i32) {
    %c0_i32 = arith.constant 0 : i32
    %c0_i32_0 = arith.constant 0 : i32
    %c0_i32_1 = arith.constant 0 : i32
    return %c0_i32, %c0_i32_0 : i32, i32
  }
  func.func @transform_9(%arg0: i32) -> (i32, i32) {
    %c0_i32 = arith.constant 0 : i32
    %c0_i32_0 = arith.constant 0 : i32
    return %arg0, %c0_i32 : i32, i32
  }
}

</mosaic_0001>

<sc_bundles>
// kernel: kernel.5.cloned.1.call-start
scs
__scs_entry_jumppad:
0x0: {  	(pc) =	sbr.rel $0x88, $3  }
0x1: {  	(tag) =	ssettag $0x0;
	lr =	simm.s32 $0x1  }
0x2: {  	[smem:$0x3F9A] =	sst lr;
	_ =	strace $0xD0000000  }
0x3: {  	_ = 	snop  }
0x4: {  	_ = 	snop  }
0x5: {  	_ = 	snop  }
0x6: {  	_ = 	snop  }
0x7: {  	_ = 	snop  }
__scs_overlays_trampoline_lowered:
0x8: {  	[smem:$0x3FA9] =	sst s0  }
0x9: {  	[smem:$0x3FAA] =	sst s1  }
0xa: {  	[smem:$0x3FAB] =	sst s2  }
0xb: {  	[smem:$0x3FAC] =	sst s3  }
0xc: {  	[smem:$0x3FAD] =	sst s4  }
0xd: {  	[smem:$0x3FAE] =	sst s5  }
0xe: {  	[smem:$0x3FAF] =	sst s6  }
0xf: {  	[smem:$0x3FB0] =	sst s7  }
0x10: {  	[smem:$0x3FB1] =	sst s8  }
0x11: {  	[smem:$0x3FB2] =	sst s9;
	s0 =	simm.s32 @!p0 $0x0  }
0x12: {  	s1 =	sld [smem:$0x3F98];
	s0 =	simm.s32 @p0 $0x1  }
0x13: {  	[smem:$0x3FB3] =	sst s0;
	s0 =	simm.s32 @!p1 $0x0  }
0x14: {  	s2 =	sld [smem:$0x3F97];
	s0 =	simm.s32 @p1 $0x1  }
0x15: {  	[smem:$0x3FB4] =	sst s0;
	s0 =	simm.s32 @!p2 $0x0  }
0x16: {  	s3 =	sld [smem:$0x3FDB];
	s0 =	simm.s32 @p2 $0x1  }
0x17: {  	s4 =	simm.s32 $0x1BF5;
	[smem:$0x3FB6] =	sst s0  }
0x18: {  	s0 =	sld [smem:$0x3F99];
	_ =	swait.ge [sflag:s4], $0x0  }
0x19: {  	s7 =	sld [smem:$0x3F9A]  }
0x1a: {  	s8 =	sadd.s32 $0xFFFFE003, lr  }
0x1b: {  	s9 =	sadd.s32 $0xFFFFFEF7, lr;
	s5 =	simm.s32 $0xFFFFFFFF;
	p2 =	slt.u32 s8, $0xFFFFF086  }
0x1c: {  	p1 =	slt.u32 s9, $0xF7A;
	s5 =	simm.s32 @!p2 $0x0  }
0x1d: {  	s5 =	simm.s32 @p1 $0x1;
	p0 =	seq.s32 s7, s2  }
0x1e: {  	s7 =	smul.u32 @!p0 $0xF7A, s2;
	p2 =	seq.s32 @!p0 s5, $0x0  }
0x1f: {  	s9 =	smul.u32 $0xF7A, s1;
	s8 =	simm.s32 @!p0 $0x1BF5;
	p2 =	por !p2, p0  }
0x20: {  	[sflag:s8] =	ssyncset.s32 @!p0 $0xFFFFF086;
	s6 =	sadd.s32 @!p0 s3, s7;
	s7 =	simm.s32 @!p0 $0x108  }
0x21: {  	s3 =	sadd.s32 s3, s9;
	s6 =	sadd.s32 @!p0 $0x88, s6;
	s7 =	simm.s32 @p2 $0x1082  }
0x22: {  	[simem:s7], [sflag:s8] =	dma.local @!p0 [hbm:s6], $0xF7A  }
0x23: {  	s9 =	sor.u32 $0xD0000000, s2;
	s6 =	simm.s32 $0x108;
	_ =	swait.ge @!p0 [sflag:s8], $0x0  }
0x24: {  	s3 =	sadd.s32 $0x88, s3;
	s6 =	simm.s32 @!p1 $0x1082;
	[sflag:s4] =	ssyncset.s32 $0xFFFFF086  }
0x25: {  	[simem:s6], [sflag:s4] =	dma.local [hbm:s3], $0xF7A  }
0x26: {  	[smem:$0x3F9A] =	sst s1;
	(tag) =	ssettag s2;
	_ =	strace s9  }
0x27: {  	s1 =	sld [smem:$0x3FAA]  }
0x28: {  	s2 =	sld [smem:$0x3FAB]  }
0x29: {  	s4 =	sld [smem:$0x3FAD]  }
0x2a: {  	p0 =	seq.s32 s5, $0x0;
	s5 =	sld [smem:$0x3FAE]  }
0x2b: {  	s6 =	sld [smem:$0x3FAF]  }
0x2c: {  	s7 =	sld [smem:$0x3FB0]  }
0x2d: {  	s3 =	simm.s32 $0x108;
	s8 =	sld [smem:$0x3FB1]  }
0x2e: {  	s3 =	simm.s32 @!p0 $0x1082;
	s9 =	sld [smem:$0x3FB2]  }
0x2f: {  	lr =	sadd.s32 s0, s3;
	s0 =	sld [smem:$0x3FA9]  }
0x30: {  	s3 =	sld [smem:$0x3FAC]  }
0x31: {  	[smem:$0x3FB5] =	sst s10  }
0x32: {  	s10 =	sld [smem:$0x3FB3];
	_ =	sdelay $0x3  }
0x33: {  	p0 =	seq.s32 s10, $0x1;
	s10 =	sld [smem:$0x3FB5];
	_ =	sdelay $0x3  }
0x34: {  	[smem:$0x3FB5] =	sst s10  }
0x35: {  	s10 =	sld [smem:$0x3FB4];
	_ =	sdelay $0x3  }
0x36: {  	p1 =	seq.s32 s10, $0x1;
	s10 =	sld [smem:$0x3FB5];
	_ =	sdelay $0x3  }
0x37: {  	[smem:$0x3FB5] =	sst s10  }
0x38: {  	s10 =	sld [smem:$0x3FB6]  }
0x39: {  	_ = 	snop;
	(pc) =	sbr.ind lr, $3  }
0x3a: {  	_ = 	snop  }
0x3b: {  	_ = 	snop  }
0x3c: {  	p2 =	seq.s32 s10, $0x1;
	s10 =	sld [smem:$0x3FB5]  }
0x3d: {  	_ =	shalt  }
0x3e: {  	_ =	shalt  }
0x3f: {  	_ =	shalt  }
0x40: {  	_ =	shalt  }
0x41: {  	_ =	shalt  }
0x42: {  	_ =	shalt  }
0x43: {  	_ =	shalt  }
0x44: {  	_ =	shalt  }
0x45: {  	_ =	shalt  }
0x46: {  	_ =	shalt  }
0x47: {  	_ =	shalt  }
0x48: {  	_ =	shalt  }
0x49: {  	_ =	shalt  }
0x4a: {  	_ =	shalt  }
0x4b: {  	_ =	shalt  }
0x4c: {  	_ =	shalt  }
0x4d: {  	_ =	shalt  }
0x4e: {  	_ =	shalt  }
0x4f: {  	_ =	shalt  }
0x50: {  	_ =	shalt  }
0x51: {  	_ =	shalt  }
0x52: {  	_ =	shalt  }
0x53: {  	_ =	shalt  }
0x54: {  	_ =	shalt  }
0x55: {  	_ =	shalt  }
0x56: {  	_ =	shalt  }
0x57: {  	_ =	shalt  }
0x58: {  	_ =	shalt  }
0x59: {  	_ =	shalt  }
0x5a: {  	_ =	shalt  }
0x5b: {  	_ =	shalt  }
0x5c: {  	_ =	shalt  }
0x5d: {  	_ =	shalt  }
0x5e: {  	_ =	shalt  }
0x5f: {  	_ =	shalt  }
0x60: {  	_ =	shalt  }
0x61: {  	_ =	shalt  }
0x62: {  	_ =	shalt  }
0x63: {  	_ =	shalt  }
0x64: {  	_ =	shalt  }
0x65: {  	_ =	shalt  }
0x66: {  	_ =	shalt  }
0x67: {  	_ =	shalt  }
0x68: {  	_ =	shalt  }
0x69: {  	_ =	shalt  }
0x6a: {  	_ =	shalt  }
0x6b: {  	_ =	shalt  }
0x6c: {  	_ =	shalt  }
0x6d: {  	_ =	shalt  }
0x6e: {  	_ =	shalt  }
0x6f: {  	_ =	shalt  }
0x70: {  	_ =	shalt  }
0x71: {  	_ =	shalt  }
0x72: {  	_ =	shalt  }
0x73: {  	_ =	shalt  }
0x74: {  	_ =	shalt  }
0x75: {  	_ =	shalt  }
0x76: {  	_ =	shalt  }
0x77: {  	_ =	shalt  }
0x78: {  	_ =	shalt  }
0x79: {  	_ =	shalt  }
0x7a: {  	_ =	shalt  }
0x7b: {  	_ =	shalt  }
0x7c: {  	_ =	shalt  }
0x7d: {  	_ =	shalt  }
0x7e: {  	_ =	shalt  }
0x7f: {  	_ =	shalt  }
0x80: {  	_ =	shalt  }
0x81: {  	_ =	shalt  }
0x82: {  	_ =	shalt  }
0x83: {  	_ =	shalt  }
0x84: {  	_ =	shalt  }
0x85: {  	_ =	shalt  }
0x86: {  	_ =	shalt  }
0x87: {  	_ =	shalt  }
.Lfunc_end0:
.L_simem_size_0:
called_computation_lowered:
.L_overlay_start_0:
0x88: {  	s2 =	sld [smem:$0x3FD9]  }
0x89: {  	s3 =	sld [smem:$0x3FFE];
	_ =	sdelay $0x1  }
0x8a: {  	s1 =	srdreg.scid  }
0x8b: {  	s0 =	sand.u32 $0x1, s1  }
0x8c: {  	s17 =	sshll.u32 s0, $0xA;
	s2 =	sadd.s32 s3, s2  }
0x8d: {  	s2 =	sadd.s32 s2, s17  }
0x8e: {  	[smem:$0x3FC1] =	sst s2  }
0x8f: {  	_ = 	snop  }
0x90: {  	s2 =	sld [smem:$0x3FC3]  }
0x91: {  	s18 =	sld [smem:$0x3FD0];
	(tm) =	ssettm $0x1  }
0x92: {  	s4 =	sld [smem:$0x3FFB];
	_ =	sdelay $0x3  }
0x93: {  	_ =	strace s4  }
0x94: {  	s4 =	sld [smem:$0x3FFC];
	_ =	sdelay $0x3  }
0x95: {  	_ =	strace s4  }
0x96: {  	s4 =	sld [smem:$0x3FFD];
	_ =	sdelay $0x3  }
0x97: {  	_ =	strace s4  }
0x98: {  	_ =	strace $0x8FFFFFFF  }
0x99: {  	s19 =	sld [smem:$0x3FDB];
	_ =	sdelay $0x1  }
0x9a: {  	s5 =	simm.s32 $_scs_section_size  }
0x9b: {  	s6 =	simm.s32 $_size__tile_overlayer_lowered;
	s7 =	simm.s32 $_tile_overlayer_lowered  }
0x9c: {  	s22 =	simm.s32 $0x1BFF;
	s21 =	sshll.u32 s7, $0x1;
	s4 =	sadd.s32 s5, s19  }
0x9d: {  	s8 =	simm.s32 $0x0;
	s20 =	sshll.u32 s6, $0x1;
	s6 =	sadd.s32 s21, s4  }
0x9e: {  	[timem:s8], [sflag:s22] =	dma.local [hbm:s6], s20  }
0x9f: {  	_ =	swait.ge [sflag:s22], s20  }
0xa0: {  	s5 =	ssub.s32 $0x0, s20;
	[sflag:s22] =	ssyncset.done $0x0  }
0xa1: {  	[sflag:s22] =	ssyncadd.s32 s5;
	_ =	sdelay $0x1  }
0xa2: {  	s23 =	simm.s32 $0x1B8B  }
0xa3: {  	_ =	swait.ge [sflag:s23], $0x1  }
0xa4: {  	[sflag:s23] =	ssyncset.done $0x0  }
0xa5: {  	s25 =	simm.s32 $0x1B8E;
	s24 =	sld [smem:$0x3FFE];
	[sflag:s23] =	ssyncadd.s32 $0xFFFFFFFF  }
0xa6: {  	s26 =	simm.s32 $execute0_lowered;
	[smem:$0x3FD2] =	sst s25  }
0xa7: {  	s6 =	sshll.u32 s26, $0x1;
	_ =	strace $0x80000046;
	[dreg:$0x1] =	wrdreg $0xFFFFFFFF  }
0xa8: {  	s28 =	simm.s32 $_size_execute0_lowered;
	s4 =	sadd.s32 s4, s6;
	[dreg:$0x0] =	wrdreg $0x0  }
0xa9: {  	s6 =	sshll.u32 s28, $0x1;
	[dreg:$0x2] =	wrdreg s4  }
0xaa: {  	[dreg:$0x3] =	wrdreg s6  }
0xab: {  	[dreg:$0x4] =	wrdreg $0xC0  }
0xac: {  	_ =	task [dreg:s8], $0x5FFFF  }
0xad: {  	[dreg:$0x1] =	wrdreg $0xFFFFFFFF  }
0xae: {  	[dreg:$0x0] =	wrdreg $0x60  }
0xaf: {  	[dreg:$0x2] =	wrdreg s18  }
0xb0: {  	[dreg:$0x3] =	wrdreg s24  }
0xb1: {  	[dreg:$0x4] =	wrdreg s2  }
0xb2: {  	[dreg:$0x5] =	wrdreg $0x9  }
0xb3: {  	_ =	task.clear_ibuf [dreg:s8], $0x6FFFF;
	_ =	strace $0x90000046  }
0xb4: {  	s29 =	simm.s32 $0x9;
	_ =	strace $0x80000048  }
0xb5: {  	_ =	swait.ge [sflag:s29], $0x1  }
0xb6: {  	[sflag:s29] =	ssyncadd.s32 $0xFFFFFFFF  }
0xb7: {  	_ =	strace $0x90000048  }
0xb8: {  	_ =	sfence  }
0xb9: {  	s30 =	sld [smem:$0x0];
	_ =	sdelay $0x2  }
0xba: {  	s31 =	sshll.u32 s1, $0xD;
	s1 =	sshrl.u32 s1, $0x2  }
0xbb: {  	s3 =	sand.u32 $0x4000, s31;
	s1 =	sadd.s32 s1, s30  }
0xbc: {  	s0 =	sor.u32 s3, s0;
	s1 =	sshll.u32 s1, $0x11  }
0xbd: {  	s0 =	sor.u32 s1, s0  }
0xbe: {  	s0 =	sadd.s32 $0x8F2B, s0  }
0xbf: {  	[sflag:s0] =	ssyncadd.remote.s32 $0x1  }
0xc0: {  	_ =	sfence.sel $0xFFFF  }
0xc1: {  	[dreg:$0x0] =	wrdreg $0xFFFFFFFF;
	(pc) =	sbr.abs _section_cstart, $3  }
0xc2: {  	[dreg:$0x1] =	wrdreg $0xFFFFFFFF  }
0xc3: {  	_ =	task.clear_ibuf [dreg:s8], $0x2FFFF;
	_ =	strace $0x9FFFFFFF  }
0xc4: {  	(tm) =	ssettm $0x7FFFFFFF  }
0xc5: {  	_ =	shalt  }
tec
execute0_lowered:
.L_overlay_start_1:
0x0: {  	(tag) =	ssettag $0x1  }
0x1: {  	s1 =	rddreg [dreg:$0x0]  }
0x2: {  	s0 =	rddreg [dreg:$0x1]  }
0x3: {  	s2 =	rddreg [dreg:$0x2];
	s4 =	simm.s32 $0x0;
	s3 =	srdreg.scid  }
0x4: {  	s12 =	stileid.u32;
	s28 =	simm.s32 $0x14050;
	s29 =	simm.s32 $0x1  }
0x5: {  	s30 =	simm.s32 $0x3;
	s31 =	simm.s32 $0x2;
	[smem:$0x7FF] =	sst s4  }
0x6: {  	s3 =	sand.u32 $0x1, s3;
	s7 =	sshll.u32 s12, $0x1;
	s5 =	sadd.s32 $0x2800, s0  }
0x7: {  	s6 =	sadd.s32 $0x33600, s0;
	s8 =	sadd.s32 $0x64400, s0;
	s7 =	sor.u32 s3, s7  }
0x8: {  	s18 =	sadd.s32 $0x371800, s0;
	s9 =	ssub.s32 $0x2, s3;
	s10 =	smul.u32 $0xC350, s7  }
0x9: {  	_ =	strace $0x80000047;
	s11 =	sshrl.u32 s9, $0x1;
	s7 =	smul.u32 $0xC3500, s7  }
0xa: {  	s9 =	ssub.s32 s9, s11;
	s25 =	sshrl.u32 s10, $0x3;
	s10 =	sadd.s32 $0x3E8, s10  }
0xb: {  	s7 =	sshrl.u32 s7, $0x3;
	s11 =	sadd.s32 s2, s25;
	s10 =	sshrl.u32 s10, $0x3  }
0xc: {  	s26 =	sadd.s32 $0x17700, s7;
	[dreg:$0x8] =	wrdreg s11;
	s10 =	sadd.s32 s2, s10  }
0xd: {  	s0 =	sadd.s32 $0xAB0E00, s0;
	s15 =	sadd.s32 s8, s26;
	[dreg:$0x9] =	wrdreg s10  }
0xe: {  	s14 =	smul.u32 $0x186A0, s12;
	s13 =	sadd.s32 s18, s26;
	[dreg:$0xa] =	wrdreg s15  }
0xf: {  	s7 =	sadd.s32 $0x17ED0, s7;
	s11 =	sadd.s32 s0, s26;
	[dreg:$0xb] =	wrdreg s13  }
0x10: {  	s16 =	smul.u32 $0xC350, s3;
	s17 =	sadd.s32 s8, s7;
	[dreg:$0xc] =	wrdreg s11  }
0x11: {  	s3 =	smul.u32 $0x186A0, s3;
	s19 =	sadd.s32 s18, s7;
	[dreg:$0xd] =	wrdreg s17  }
0x12: {  	[dreg:$0xe] =	wrdreg s19;
	s10 =	sadd.s32 s16, s14;
	s14 =	sadd.s32 s0, s7  }
0x13: {  	s15 =	smax.u32 s9, $0x1;
	s19 =	smul.u32 $0x30D40, s12;
	s20 =	sadd.s32 $0xBB8, s10  }
0x14: {  	s16 =	sshll.u32 s10, $0x1;
	s17 =	sadd.s32 $0x7D0, s10;
	s7 =	sshrl.u32 s20, $0x3  }
0x15: {  	s21 =	sadd.s32 $0x7D0, s16;
	s25 =	sadd.s32 s19, s18;
	s26 =	sadd.s32 s19, s8  }
0x16: {  	s20 =	simm.s32 $0x5;
	s16 =	sadd.s32 s7, s2;
	s22 =	sadd.s32 s21, s8  }
0x17: {  	s23 =	sadd.s32 s21, s18;
	s24 =	sadd.s32 s21, s0;
	s0 =	sadd.s32 s19, s0  }
0x18: {  	s18 =	sadd.s32 s3, s25;
	s19 =	sadd.s32 s3, s26;
	[dreg:$0x4] =	wrdreg s22  }
0x19: {  	s21 =	simm.s32 $0x3E8;
	s25 =	simm.s32 $0xC350;
	[dreg:$0x5] =	wrdreg s23  }
0x1a: {  	s26 =	simm.s32 $0x101D0;
	[dreg:$0x6] =	wrdreg s24;
	s0 =	sadd.s32 s3, s0  }
0x1b: {  	s22 =	simm.s32 $0x4268;
	s23 =	simm.s32 $0x80E8;
	s24 =	simm.s32 $0xBF68  }
0x1c: {  	s3 =	simm.s32 $0x0;
	[dreg:$0x7] =	wrdreg s0;
	s0 =	simm.s32 $0x4  }
.LBB2_1:
0x1d: {  	s7 =	rddreg [dreg:$0x8]  }
0x1e: {  	[tilespmem:s4], [sflag:$0x5] =	stream.linear.gather [hbm4b:s7+s4], $0x3E8, $0x38;
	[tilespmem:$0x17ED0] =	vst v63  }
0x1f: {  	_ =	swait.ge [sflag:s20], $0x3E8  }
0x20: {  	[sflag:s20] =	ssyncset.done $0x0  }
0x21: {  	[sflag:s20] =	ssyncadd.s32 $0xFFFFFC18  }
0x22: {  	[tilespmem:s21], [sflag:$0x1] =	stream.indirect.gather [hbm4b:s1+s21], $0x10, s4, s21, $0xb8;
	[tilespmem:$0x17ED0] =	vst v63  }
0x23: {  	_ = 	snop  }
0x24: {  	[tilespmem:s22], [sflag:$0x1] =	stream.indirect.gather [hbm4b:s5+s21], $0x10, s4, s21, $0xb8;
	[tilespmem:$0x17ED0] =	vst v63  }
0x25: {  	_ = 	snop  }
0x26: {  	[tilespmem:s23], [sflag:$0x1] =	stream.indirect.gather [hbm4b:s6+s21], $0x10, s4, s21, $0xb8;
	[tilespmem:$0x17ED0] =	vst v63  }
0x27: {  	s11 =	rddreg [dreg:$0x9]  }
0x28: {  	[tilespmem:s24], [sflag:$0x5] =	stream.linear.gather [hbm4b:s11+s4], $0x3E8, $0x38;
	[tilespmem:$0x17ED0] =	vst v63  }
0x29: {  	_ =	swait.ge [sflag:s20], $0x3E8  }
0x2a: {  	[sflag:s20] =	ssyncset.done $0x0  }
0x2b: {  	[sflag:s20] =	ssyncadd.s32 $0xFFFFFC18  }
0x2c: {  	[tilespmem:s25], [sflag:$0x2] =	stream.indirect.gather [hbm4b:s1+s21], $0x10, s24, s21, $0xb8;
	[tilespmem:$0x17ED0] =	vst v63  }
0x2d: {  	_ = 	snop  }
0x2e: {  	[tilespmem:s26], [sflag:$0x2] =	stream.indirect.gather [hbm4b:s5+s21], $0x10, s24, s21, $0xb8;
	[tilespmem:$0x17ED0] =	vst v63  }
0x2f: {  	_ = 	snop  }
0x30: {  	[tilespmem:s28], [sflag:$0x2] =	stream.indirect.gather [hbm4b:s6+s21], $0x10, s24, s21, $0xb8;
	[tilespmem:$0x17ED0] =	vst v63  }
0x31: {  	_ =	swait.ge [sflag:s29], $0x3E80  }
0x32: {  	[sflag:s29] =	ssyncset.done $0x0  }
0x33: {  	[sflag:s29] =	ssyncadd.s32 $0xFFFFC180  }
0x34: {  	_ =	swait.ge [sflag:s29], $0x3E80  }
0x35: {  	[sflag:s29] =	ssyncset.done $0x0  }
0x36: {  	[sflag:s29] =	ssyncadd.s32 $0xFFFFC180  }
0x37: {  	_ =	swait.ge [sflag:s29], $0x3E80  }
0x38: {  	[sflag:s29] =	ssyncset.done $0x0  }
0x39: {  	s12 =	sadd.s32 $0x0, s19;
	[sflag:s29] =	ssyncadd.s32 $0xFFFFC180  }
0x3a: {  	[hbm4b:s12+s4] =	stream.linear.scatter [tilespmem:s21], [sflag:$0x3], $0x3E80, $0x38;
	[tilespmem:$0x17ED0] =	vst v63  }
0x3b: {  	s13 =	sadd.s32 $0x0, s18;
	s8 =	rddreg [dreg:$0x7]  }
0x3c: {  	[hbm4b:s13+s4] =	stream.linear.scatter [tilespmem:s22], [sflag:$0x3], $0x3E80, $0x38;
	[tilespmem:$0x17ED0] =	vst v63  }
0x3d: {  	s8 =	sadd.s32 $0x0, s8  }
0x3e: {  	[hbm4b:s8+s4] =	stream.linear.scatter [tilespmem:s23], [sflag:$0x3], $0x3E80, $0x38;
	[tilespmem:$0x17ED0] =	vst v63  }
0x3f: {  	_ =	swait.ge [sflag:s30], $0x3E80  }
0x40: {  	[sflag:s30] =	ssyncset.done $0x0  }
0x41: {  	[sflag:s30] =	ssyncadd.s32 $0xFFFFC180  }
0x42: {  	_ =	swait.ge [sflag:s30], $0x3E80  }
0x43: {  	[sflag:s30] =	ssyncset.done $0x0  }
0x44: {  	[sflag:s30] =	ssyncadd.s32 $0xFFFFC180  }
0x45: {  	_ =	swait.ge [sflag:s30], $0x3E80  }
0x46: {  	s9 =	sshrl.u32 s17, $0x3;
	[sflag:s30] =	ssyncset.done $0x0  }
0x47: {  	s7 =	sadd.s32 s2, s9;
	[sflag:s30] =	ssyncadd.s32 $0xFFFFC180  }
0x48: {  	[tilespmem:s4], [sflag:$0x5] =	stream.linear.gather [hbm4b:s7+s4], $0x3E8, $0x38;
	[tilespmem:$0x17ED0] =	vst v63  }
0x49: {  	_ =	swait.ge [sflag:s20], $0x3E8  }
0x4a: {  	[sflag:s20] =	ssyncset.done $0x0  }
0x4b: {  	[sflag:s20] =	ssyncadd.s32 $0xFFFFFC18  }
0x4c: {  	[tilespmem:s21], [sflag:$0x1] =	stream.indirect.gather [hbm4b:s1+s21], $0x10, s4, s21, $0xb8;
	[tilespmem:$0x17ED0] =	vst v63  }
0x4d: {  	_ = 	snop  }
0x4e: {  	[tilespmem:s22], [sflag:$0x1] =	stream.indirect.gather [hbm4b:s5+s21], $0x10, s4, s21, $0xb8;
	[tilespmem:$0x17ED0] =	vst v63  }
0x4f: {  	_ = 	snop  }
0x50: {  	[tilespmem:s23], [sflag:$0x1] =	stream.indirect.gather [hbm4b:s6+s21], $0x10, s4, s21, $0xb8;
	[tilespmem:$0x17ED0] =	vst v63  }
0x51: {  	_ =	swait.ge [sflag:s31], $0x3E80  }
0x52: {  	[sflag:s31] =	ssyncset.done $0x0  }
0x53: {  	[sflag:s31] =	ssyncadd.s32 $0xFFFFC180  }
0x54: {  	_ =	swait.ge [sflag:s31], $0x3E80  }
0x55: {  	[sflag:s31] =	ssyncset.done $0x0  }
0x56: {  	[sflag:s31] =	ssyncadd.s32 $0xFFFFC180  }
0x57: {  	_ =	swait.ge [sflag:s31], $0x3E80  }
0x58: {  	s10 =	rddreg [dreg:$0x4];
	[sflag:s31] =	ssyncset.done $0x0  }
0x59: {  	s11 =	rddreg [dreg:$0x5];
	[sflag:s31] =	ssyncadd.s32 $0xFFFFC180;
	s7 =	sadd.s32 $0x0, s10  }
0x5a: {  	[hbm4b:s7+s4] =	stream.linear.scatter [tilespmem:s25], [sflag:$0x4], $0x3E80, $0x38;
	[tilespmem:$0x17ED0] =	vst v63  }
0x5b: {  	s9 =	rddreg [dreg:$0x6];
	s12 =	sadd.s32 $0x0, s11  }
0x5c: {  	[hbm4b:s12+s4] =	stream.linear.scatter [tilespmem:s26], [sflag:$0x4], $0x3E80, $0x38;
	[tilespmem:$0x17ED0] =	vst v63  }
0x5d: {  	s13 =	sadd.s32 $0x0, s9  }
0x5e: {  	[hbm4b:s13+s4] =	stream.linear.scatter [tilespmem:s28], [sflag:$0x4], $0x3E80, $0x38;
	[tilespmem:$0x17ED0] =	vst v63  }
0x5f: {  	_ =	swait.ge [sflag:s0], $0x3E80  }
0x60: {  	[sflag:s0] =	ssyncset.done $0x0  }
0x61: {  	[sflag:s0] =	ssyncadd.s32 $0xFFFFC180  }
0x62: {  	_ =	swait.ge [sflag:s0], $0x3E80  }
0x63: {  	[sflag:s0] =	ssyncset.done $0x0  }
0x64: {  	[sflag:s0] =	ssyncadd.s32 $0xFFFFC180  }
0x65: {  	_ =	swait.ge [sflag:s0], $0x3E80  }
0x66: {  	[sflag:s0] =	ssyncset.done $0x0  }
0x67: {  	[sflag:s0] =	ssyncadd.s32 $0xFFFFC180  }
0x68: {  	[tilespmem:s24], [sflag:$0x5] =	stream.linear.gather [hbm4b:s16+s4], $0x3E8, $0x38;
	[tilespmem:$0x17ED0] =	vst v63  }
0x69: {  	_ =	swait.ge [sflag:s20], $0x3E8  }
0x6a: {  	[sflag:s20] =	ssyncset.done $0x0  }
0x6b: {  	[sflag:s20] =	ssyncadd.s32 $0xFFFFFC18  }
0x6c: {  	[tilespmem:s25], [sflag:$0x2] =	stream.indirect.gather [hbm4b:s1+s21], $0x10, s24, s21, $0xb8;
	[tilespmem:$0x17ED0] =	vst v63  }
0x6d: {  	s8 =	sadd.s32 $0xFA, s16;
	s9 =	sadd.s32 $0x7D0, s17;
	s7 =	simm.s32 $0xFA0  }
0x6e: {  	[tilespmem:s26], [sflag:$0x2] =	stream.indirect.gather [hbm4b:s5+s21], $0x10, s24, s21, $0xb8;
	[tilespmem:$0x17ED0] =	vst v63  }
.LBB2_2:
0x6f: {  	[tilespmem:s28], [sflag:$0x2] =	stream.indirect.gather [hbm4b:s6+s21], $0x10, s24, s21, $0xb8;
	[tilespmem:$0x17ED0] =	vst v63  }
0x70: {  	_ =	swait.ge [sflag:s29], $0x3E80  }
0x71: {  	[sflag:s29] =	ssyncset.done $0x0  }
0x72: {  	[sflag:s29] =	ssyncadd.s32 $0xFFFFC180  }
0x73: {  	_ =	swait.ge [sflag:s29], $0x3E80  }
0x74: {  	[sflag:s29] =	ssyncset.done $0x0  }
0x75: {  	[sflag:s29] =	ssyncadd.s32 $0xFFFFC180  }
0x76: {  	_ =	swait.ge [sflag:s29], $0x3E80  }
0x77: {  	s10 =	smov.u32 s7;
	[sflag:s29] =	ssyncset.done $0x0  }
0x78: {  	s11 =	sadd.s32 s10, s19;
	[sflag:s29] =	ssyncadd.s32 $0xFFFFC180  }
0x79: {  	[hbm4b:s11+s4] =	stream.linear.scatter [tilespmem:s21], [sflag:$0x3], $0x3E80, $0x38;
	[tilespmem:$0x17ED0] =	vst v63  }
0x7a: {  	s13 =	sadd.s32 s10, s18;
	s12 =	rddreg [dreg:$0x7]  }
0x7b: {  	[hbm4b:s13+s4] =	stream.linear.scatter [tilespmem:s22], [sflag:$0x3], $0x3E80, $0x38;
	[tilespmem:$0x17ED0] =	vst v63  }
0x7c: {  	s13 =	sadd.s32 s10, s12  }
0x7d: {  	[hbm4b:s13+s4] =	stream.linear.scatter [tilespmem:s23], [sflag:$0x3], $0x3E80, $0x38;
	[tilespmem:$0x17ED0] =	vst v63  }
0x7e: {  	_ =	swait.ge [sflag:s30], $0x3E80  }
0x7f: {  	[sflag:s30] =	ssyncset.done $0x0  }
0x80: {  	[sflag:s30] =	ssyncadd.s32 $0xFFFFC180  }
0x81: {  	_ =	swait.ge [sflag:s30], $0x3E80  }
0x82: {  	[sflag:s30] =	ssyncset.done $0x0  }
0x83: {  	[sflag:s30] =	ssyncadd.s32 $0xFFFFC180  }
0x84: {  	_ =	swait.ge [sflag:s30], $0x3E80  }
0x85: {  	s12 =	sshrl.u32 s9, $0x3;
	[sflag:s30] =	ssyncset.done $0x0  }
0x86: {  	s11 =	sadd.s32 s2, s12;
	[sflag:s30] =	ssyncadd.s32 $0xFFFFC180  }
0x87: {  	[tilespmem:s4], [sflag:$0x5] =	stream.linear.gather [hbm4b:s11+s4], $0x3E8, $0x38;
	[tilespmem:$0x17ED0] =	vst v63  }
0x88: {  	_ =	swait.ge [sflag:s20], $0x3E8  }
0x89: {  	[sflag:s20] =	ssyncset.done $0x0  }
0x8a: {  	[sflag:s20] =	ssyncadd.s32 $0xFFFFFC18  }
0x8b: {  	[tilespmem:s21], [sflag:$0x1] =	stream.indirect.gather [hbm4b:s1+s21], $0x10, s4, s21, $0xb8;
	[tilespmem:$0x17ED0] =	vst v63  }
0x8c: {  	_ = 	snop  }
0x8d: {  	[tilespmem:s22], [sflag:$0x1] =	stream.indirect.gather [hbm4b:s5+s21], $0x10, s4, s21, $0xb8;
	[tilespmem:$0x17ED0] =	vst v63  }
0x8e: {  	_ = 	snop  }
0x8f: {  	[tilespmem:s23], [sflag:$0x1] =	stream.indirect.gather [hbm4b:s6+s21], $0x10, s4, s21, $0xb8;
	[tilespmem:$0x17ED0] =	vst v63  }
0x90: {  	_ =	swait.ge [sflag:s31], $0x3E80  }
0x91: {  	[sflag:s31] =	ssyncset.done $0x0  }
0x92: {  	[sflag:s31] =	ssyncadd.s32 $0xFFFFC180  }
0x93: {  	_ =	swait.ge [sflag:s31], $0x3E80  }
0x94: {  	[sflag:s31] =	ssyncset.done $0x0  }
0x95: {  	[sflag:s31] =	ssyncadd.s32 $0xFFFFC180  }
0x96: {  	_ =	swait.ge [sflag:s31], $0x3E80  }
0x97: {  	s13 =	rddreg [dreg:$0x4];
	[sflag:s31] =	ssyncset.done $0x0  }
0x98: {  	s12 =	rddreg [dreg:$0x5];
	[sflag:s31] =	ssyncadd.s32 $0xFFFFC180;
	s11 =	sadd.s32 s10, s13  }
0x99: {  	[hbm4b:s11+s4] =	stream.linear.scatter [tilespmem:s25], [sflag:$0x4], $0x3E80, $0x38;
	[tilespmem:$0x17ED0] =	vst v63  }
0x9a: {  	s13 =	rddreg [dreg:$0x6];
	s12 =	sadd.s32 s10, s12  }
0x9b: {  	[hbm4b:s12+s4] =	stream.linear.scatter [tilespmem:s26], [sflag:$0x4], $0x3E80, $0x38;
	[tilespmem:$0x17ED0] =	vst v63  }
0x9c: {  	s10 =	sadd.s32 s10, s13  }
0x9d: {  	[hbm4b:s10+s4] =	stream.linear.scatter [tilespmem:s28], [sflag:$0x4], $0x3E80, $0x38;
	[tilespmem:$0x17ED0] =	vst v63  }
0x9e: {  	_ =	swait.ge [sflag:s0], $0x3E80  }
0x9f: {  	[sflag:s0] =	ssyncset.done $0x0  }
0xa0: {  	[sflag:s0] =	ssyncadd.s32 $0xFFFFC180  }
0xa1: {  	_ =	swait.ge [sflag:s0], $0x3E80  }
0xa2: {  	[sflag:s0] =	ssyncset.done $0x0  }
0xa3: {  	[sflag:s0] =	ssyncadd.s32 $0xFFFFC180  }
0xa4: {  	_ =	swait.ge [sflag:s0], $0x3E80  }
0xa5: {  	[sflag:s0] =	ssyncset.done $0x0  }
0xa6: {  	[sflag:s0] =	ssyncadd.s32 $0xFFFFC180  }
0xa7: {  	[tilespmem:s24], [sflag:$0x5] =	stream.linear.gather [hbm4b:s8+s4], $0x3E8, $0x38;
	[tilespmem:$0x17ED0] =	vst v63  }
0xa8: {  	p0 =	sne.s32 s7, $0x16760;
	_ =	swait.ge [sflag:s20], $0x3E8  }
.Ltmp0:
0xa9: {  	[sflag:s20] =	ssyncset.done $0x0;
	(pc) =	sbr.rel @p0 .LBB2_2-.Ltmp0, $4  }
0xaa: {  	[sflag:s20] =	ssyncadd.s32 $0xFFFFFC18  }
0xab: {  	[tilespmem:s25], [sflag:$0x2] =	stream.indirect.gather [hbm4b:s1+s21], $0x10, s24, s21, $0xb8;
	[tilespmem:$0x17ED0] =	vst v63  }
0xac: {  	s7 =	sadd.s32 $0xFA0, s7;
	s9 =	sadd.s32 $0x7D0, s9;
	s8 =	sadd.s32 $0xFA, s8  }
0xad: {  	[tilespmem:s26], [sflag:$0x2] =	stream.indirect.gather [hbm4b:s5+s21], $0x10, s24, s21, $0xb8;
	[tilespmem:$0x17ED0] =	vst v63  }
0xae: {  	[tilespmem:s28], [sflag:$0x2] =	stream.indirect.gather [hbm4b:s6+s21], $0x10, s24, s21, $0xb8;
	[tilespmem:$0x17ED0] =	vst v63  }
0xaf: {  	_ =	swait.ge [sflag:s29], $0x3E80  }
0xb0: {  	[sflag:s29] =	ssyncset.done $0x0  }
0xb1: {  	[sflag:s29] =	ssyncadd.s32 $0xFFFFC180  }
0xb2: {  	_ =	swait.ge [sflag:s29], $0x3E80  }
0xb3: {  	[sflag:s29] =	ssyncset.done $0x0  }
0xb4: {  	[sflag:s29] =	ssyncadd.s32 $0xFFFFC180  }
0xb5: {  	_ =	swait.ge [sflag:s29], $0x3E80  }
0xb6: {  	[sflag:s29] =	ssyncset.done $0x0  }
0xb7: {  	s7 =	rddreg [dreg:$0xa];
	[sflag:s29] =	ssyncadd.s32 $0xFFFFC180  }
0xb8: {  	[hbm4b:s7+s4] =	stream.linear.scatter [tilespmem:s21], [sflag:$0x3], $0x3E80, $0x38;
	[tilespmem:$0x17ED0] =	vst v63  }
0xb9: {  	s10 =	rddreg [dreg:$0xb]  }
0xba: {  	[hbm4b:s10+s4] =	stream.linear.scatter [tilespmem:s22], [sflag:$0x3], $0x3E80, $0x38;
	[tilespmem:$0x17ED0] =	vst v63  }
0xbb: {  	s11 =	rddreg [dreg:$0xc]  }
0xbc: {  	[hbm4b:s11+s4] =	stream.linear.scatter [tilespmem:s23], [sflag:$0x3], $0x3E80, $0x38;
	[tilespmem:$0x17ED0] =	vst v63  }
0xbd: {  	_ =	swait.ge [sflag:s30], $0x3E80  }
0xbe: {  	[sflag:s30] =	ssyncset.done $0x0  }
0xbf: {  	[sflag:s30] =	ssyncadd.s32 $0xFFFFC180  }
0xc0: {  	_ =	swait.ge [sflag:s30], $0x3E80  }
0xc1: {  	[sflag:s30] =	ssyncset.done $0x0  }
0xc2: {  	[sflag:s30] =	ssyncadd.s32 $0xFFFFC180  }
0xc3: {  	_ =	swait.ge [sflag:s30], $0x3E80  }
0xc4: {  	[sflag:s30] =	ssyncset.done $0x0  }
0xc5: {  	[sflag:s30] =	ssyncadd.s32 $0xFFFFC180  }
0xc6: {  	_ =	swait.ge [sflag:s31], $0x3E80  }
0xc7: {  	[sflag:s31] =	ssyncset.done $0x0  }
0xc8: {  	[sflag:s31] =	ssyncadd.s32 $0xFFFFC180  }
0xc9: {  	_ =	swait.ge [sflag:s31], $0x3E80  }
0xca: {  	[sflag:s31] =	ssyncset.done $0x0  }
0xcb: {  	[sflag:s31] =	ssyncadd.s32 $0xFFFFC180  }
0xcc: {  	_ =	swait.ge [sflag:s31], $0x3E80  }
0xcd: {  	[sflag:s31] =	ssyncset.done $0x0  }
0xce: {  	s12 =	rddreg [dreg:$0xd];
	[sflag:s31] =	ssyncadd.s32 $0xFFFFC180  }
0xcf: {  	[hbm4b:s12+s4] =	stream.linear.scatter [tilespmem:s25], [sflag:$0x4], $0x3E80, $0x38;
	[tilespmem:$0x17ED0] =	vst v63  }
0xd0: {  	s13 =	rddreg [dreg:$0xe]  }
0xd1: {  	[hbm4b:s13+s4] =	stream.linear.scatter [tilespmem:s26], [sflag:$0x4], $0x3E80, $0x38;
	[tilespmem:$0x17ED0] =	vst v63  }
0xd2: {  	_ = 	snop  }
0xd3: {  	[hbm4b:s14+s4] =	stream.linear.scatter [tilespmem:s28], [sflag:$0x4], $0x3E80, $0x38;
	[tilespmem:$0x17ED0] =	vst v63  }
0xd4: {  	_ =	swait.ge [sflag:s0], $0x3E80  }
0xd5: {  	[sflag:s0] =	ssyncset.done $0x0  }
0xd6: {  	s3 =	sadd.s32 $0x1, s3;
	[sflag:s0] =	ssyncadd.s32 $0xFFFFC180  }
0xd7: {  	p0 =	sne.s32 s3, s15;
	_ =	swait.ge [sflag:s0], $0x3E80  }
.Ltmp1:
0xd8: {  	[sflag:s0] =	ssyncset.done $0x0;
	(pc) =	sbr.rel @p0 .LBB2_1-.Ltmp1, $4  }
0xd9: {  	[sflag:s0] =	ssyncadd.s32 $0xFFFFC180  }
0xda: {  	_ =	swait.ge [sflag:s0], $0x3E80  }
0xdb: {  	[sflag:s0] =	ssyncset.done $0x0  }
0xdc: {  	[sflag:s0] =	ssyncadd.s32 $0xFFFFC180  }
0xdd: {  	_ =	sfence.sel $0x180000  }
0xde: {  	[bflag:$0x0] =	sbarrier.arrive $0xFFFF  }
0xdf: {  	_ =	strace $0x90000047  }
0xe0: {  	s0 =	stileid.u32;
	[bflag:$0x2] =	sbarrier.arrive $0xFFFF  }
0xe1: {  	p0 =	sne.s32 s0, $0x0;
	s0 =	rddreg [dreg:$0x3]  }
0xe2: {  	s0 =	sadd.s32 @!p0 $0x100000, s0  }
0xe3: {  	[sflag:s0] =	ssyncadd.tile.s32 @!p0 $0x1;
	_ =	shalt  }
.Lfunc_end2:
_tile_overlayer_lowered:
.L_overlay_start_2:
0xe4: {  	(tag) =	ssettag $0x2  }
0xe5: {  	s0 =	rddreg [dreg:$0x0];
	s2 =	stileid.u32  }
0xe6: {  	s1 =	rddreg [dreg:$0x1];
	p0 =	sne.s32 s2, $0x0  }
0xe7: {  	s3 =	rddreg [dreg:$0x2];
	[bflag:$0x3] =	sbarrier.arrive $0xFFFF;
	s2 =	simm.s32 @!p0 $0x1C05  }
0xe8: {  	[timem:s3], [sflag:s2] =	dma.local @!p0 [hbm:s0], s1  }
0xe9: {  	s0 =	simm.s32 @!p0 $0x5  }
0xea: {  	_ =	swait.ge @!p0 [sflag:s0], s1  }
0xeb: {  	s1 =	ssub.s32 @!p0 $0x0, s1;
	[sflag:s0] =	ssyncset.done @!p0 $0x0  }
0xec: {  	[sflag:s0] =	ssyncadd.s32 @!p0 s1  }
0xed: {  	[bflag:$0x3] =	sbarrier.arrive $0xFFFF  }
0xee: {  	_ =	shalt  }

</sc_bundles>
